<compile_context>
chip_gen: v7x
topology: tpu7x:2x2x1
jax: 0.10.2.dev20260603
libtpu: 0.0.44.dev20260713+nightly
codegen_flags: <defaults>
</compile_context>

<pallas_src>
import jax
import jax.numpy as jnp
from jax import lax
from jax.experimental import pallas as pl
from jax.experimental.pallas import tpu as pltpu
from jax.experimental.pallas import tpu_sc as plsc

N = 50000
E = 800000
H = 32
NEG_SLOPE = 0.05

NC = 2
NS = 16
CHUNK = 128
NCH = 392
EPT = NCH * CHUNK
EPAD = NS * EPT
K = 4
NG = NCH // K
NPAD = 50048
ROWS_PT = NPAD // NS
ZROWS = 136
NZ = ROWS_PT // ZROWS
DEGW = 16

_mesh = plsc.VectorSubcoreMesh(core_axis_name="c", subcore_axis_name="s")
_sc_params = pltpu.CompilerParams(use_tc_tiling_on_sc=False)


def _seg_body(h_hbm, src_hbm, dst_hbm, zeros_hbm, out_hbm,
              acc, idx_src, idx_dst, rows, zbuf, sem_g, sem_s):
    c = lax.axis_index("c")
    s = lax.axis_index("s")
    base_row = s * ROWS_PT

    pltpu.sync_copy(zeros_hbm, zbuf)

    @pl.loop(0, NZ)
    def _zero(i):
        pltpu.sync_copy(zbuf, acc.at[pl.ds(base_row + i * ZROWS, ZROWS), :])

    plsc.subcore_barrier()

    @pl.loop(0, NG)
    def _group(g):
        row0 = s * NCH + g * K
        pltpu.sync_copy(src_hbm.at[c, pl.ds(row0, K), :], idx_src)
        pltpu.sync_copy(dst_hbm.at[c, pl.ds(row0, K), :], idx_dst)
        gathers = [
            pltpu.async_copy(h_hbm.at[idx_src.at[j]], rows.at[j], sem_g)
            for j in range(K)
        ]
        for d in gathers:
            d.wait()
        scatters = [
            pltpu.async_copy(rows.at[j], acc.at[idx_dst.at[j]], sem_s, add=True)
            for j in range(K)
        ]
        for d in scatters:
            d.wait()

    plsc.subcore_barrier()

    @pl.loop(0, NZ)
    def _out(i):
        r0 = base_row + i * ZROWS
        pltpu.sync_copy(acc.at[pl.ds(r0, ZROWS), :], zbuf)
        pltpu.sync_copy(zbuf, out_hbm.at[c, pl.ds(r0, ZROWS), :])


_seg_call = pl.kernel(
    _seg_body,
    out_type=jax.ShapeDtypeStruct((NC, NPAD, H), jnp.float32),
    mesh=_mesh,
    scratch_types=[
        pltpu.VMEM_SHARED((NPAD, H), jnp.float32),
        pltpu.VMEM((K, CHUNK), jnp.int32),
        pltpu.VMEM((K, CHUNK), jnp.int32),
        pltpu.VMEM((K, CHUNK, H), jnp.float32),
        pltpu.VMEM((ZROWS, H), jnp.float32),
        pltpu.SemaphoreType.DMA,
        pltpu.SemaphoreType.DMA,
    ],
    compiler_params=_sc_params,
)


def _deg_body(dst_hbm, ones_hbm, zeros_hbm, out_hbm,
              acc, idx_dst, ones_v, zbuf, sem_s):
    c = lax.axis_index("c")
    s = lax.axis_index("s")
    base_row = s * ROWS_PT

    pltpu.sync_copy(zeros_hbm, zbuf)
    pltpu.sync_copy(ones_hbm, ones_v)

    @pl.loop(0, NZ)
    def _zero(i):
        pltpu.sync_copy(zbuf, acc.at[pl.ds(base_row + i * ZROWS, ZROWS), :])

    plsc.subcore_barrier()

    @pl.loop(0, NG)
    def _group(g):
        row0 = s * NCH + g * K
        pltpu.sync_copy(dst_hbm.at[c, pl.ds(row0, K), :], idx_dst)
        scatters = [
            pltpu.async_copy(ones_v, acc.at[idx_dst.at[j]], sem_s, add=True)
            for j in range(K)
        ]
        for d in scatters:
            d.wait()

    plsc.subcore_barrier()

    @pl.loop(0, NZ)
    def _out(i):
        r0 = base_row + i * ZROWS
        pltpu.sync_copy(acc.at[pl.ds(r0, ZROWS), :], zbuf)
        pltpu.sync_copy(zbuf, out_hbm.at[c, pl.ds(r0, ZROWS), :])


_deg_call = pl.kernel(
    _deg_body,
    out_type=jax.ShapeDtypeStruct((NC, NPAD, DEGW), jnp.float32),
    mesh=_mesh,
    scratch_types=[
        pltpu.VMEM_SHARED((NPAD, DEGW), jnp.float32),
        pltpu.VMEM((K, CHUNK), jnp.int32),
        pltpu.VMEM((CHUNK, DEGW), jnp.float32),
        pltpu.VMEM((ZROWS, DEGW), jnp.float32),
        pltpu.SemaphoreType.DMA,
    ],
    compiler_params=_sc_params,
)


BN = 1088


def _combine_body(seg_ref, deg_ref, w0_ref, w1_ref, b_ref, out_ref):
    a0 = seg_ref[0]
    a1 = seg_ref[1]
    r0 = 1.0 / jnp.maximum(deg_ref[0, :, 0:1], 1.0)
    r1 = 1.0 / jnp.maximum(deg_ref[1, :, 0:1], 1.0)
    z = (
        jnp.dot(a0 * r0, w0_ref[...], preferred_element_type=jnp.float32)
        + jnp.dot(a1 * r1, w1_ref[...], preferred_element_type=jnp.float32)
        + b_ref[...]
    )
    out_ref[...] = jnp.where(z >= 0.0, z, NEG_SLOPE * z)


_combine_call = pl.pallas_call(
    _combine_body,
    grid=(NPAD // BN,),
    in_specs=[
        pl.BlockSpec((NC, BN, H), lambda i: (0, i, 0)),
        pl.BlockSpec((NC, BN, DEGW), lambda i: (0, i, 0)),
        pl.BlockSpec((H, H), lambda i: (0, 0)),
        pl.BlockSpec((H, H), lambda i: (0, 0)),
        pl.BlockSpec((1, H), lambda i: (0, 0)),
    ],
    out_specs=pl.BlockSpec((BN, H), lambda i: (i, 0)),
    out_shape=jax.ShapeDtypeStruct((NPAD, H), jnp.float32),
)


def _pad_edges(row, fill):
    return jnp.concatenate(
        [row, jnp.full((EPAD - E,), fill, jnp.int32)]).reshape(NS * NCH, CHUNK)


@jax.jit
def kernel(x, edge_index0, edge_index1, W0, W1, b):
    src = jnp.stack([_pad_edges(edge_index0[0], 0),
                     _pad_edges(edge_index1[0], 0)])
    dst = jnp.stack([_pad_edges(edge_index0[1], N),
                     _pad_edges(edge_index1[1], N)])
    zeros_h = jnp.zeros((ZROWS, H), jnp.float32)
    zeros_d = jnp.zeros((ZROWS, DEGW), jnp.float32)
    ones_d = jnp.ones((CHUNK, DEGW), jnp.float32)
    b2 = b.reshape(1, H)

    deg = _deg_call(dst, ones_d, zeros_d)
    h = x
    for _ in range(2):
        seg = _seg_call(h, src, dst, zeros_h)
        h = _combine_call(seg, deg, W0, W1, b2)
    return h[:N]

# --- scband reference (transcript-rebuilt; emitter-appended) ---
"""Pipeline reference for scband-hidden-rrgcn-52218212384772 (READ-ONLY COPY).

The authoritative reference and input builder live on the scoring server;
editing this copy changes nothing except your own understanding.
"""

import jax, jax.numpy as jnp
import numpy as np

N = 50000
E = 800000
H = 32
NEG_SLOPE = 0.05


def setup_inputs(seed: int = 0) -> dict:
    key = jax.random.key(seed)
    k1, k2, k3, k4, k5, k6 = jax.random.split(key, 6)
    x = jax.random.normal(k1, (N, H), dtype=jnp.float32)
    edge_index0 = jax.random.randint(k2, (2, E), 0, N, dtype=jnp.int32)
    edge_index1 = jax.random.randint(k3, (2, E), 0, N, dtype=jnp.int32)
    # Shared GeneralRGCLayer parameters: one weight per canonical etype, one bias per dst ntype.
    W0 = jax.random.normal(k4, (H, H), dtype=jnp.float32) * (1.0 / np.sqrt(H))
    W1 = jax.random.normal(k5, (H, H), dtype=jnp.float32) * (1.0 / np.sqrt(H))
    b = jnp.zeros((H,), dtype=jnp.float32)
    return {"x": x, "edge_index0": edge_index0, "edge_index1": edge_index1,
            "W0": W0, "W1": W1, "b": b}


def _rgc_layer(h, edge_index0, edge_index1, W0, W1, b):
    # GeneralRGCLayer with norm='right', use_weight=True, aggregate='sum', bias, LeakyReLU.
    out = jnp.zeros_like(h)
    for ei, W in ((edge_index0, W0), (edge_index1, W1)):
        src, dst = ei[0], ei[1]
        hw = h @ W                      # apply per-relation weight
        m = jnp.take(hw, src, axis=0)   # gather source messages
        agg = jax.ops.segment_sum(m, dst, num_segments=N)
        deg = jax.ops.segment_sum(jnp.ones((ei.shape[1],), h.dtype), dst, num_segments=N)
        agg = agg / jnp.clip(deg, 1.0, None)[:, None]  # norm='right' (mean over in-edges)
        out = out + agg                 # cross-relation aggregate='sum'
    out = out + b
    return jax.nn.leaky_relu(out, NEG_SLOPE)


def reference(x, edge_index0, edge_index1, W0, W1, b):
    # HiddenRRGCN with num_hidden_layers=2: the same shared layer is applied twice.
    h = _rgc_layer(x, edge_index0, edge_index1, W0, W1, b)
    h = _rgc_layer(h, edge_index0, edge_index1, W0, W1, b)
    return h

if __name__ == "__main__":
    import jax
    _d = setup_inputs()
    print(jax.jit(kernel)(*tuple(_d.values())))

</pallas_src>

<mosaic_0001>
#map = affine_map<(d0, d1) -> (0, 0, 0)>
#map1 = affine_map<(d0, d1) -> (0, 0)>
module attributes {stable_mosaic.version = 14 : i64} {
  func.func @_deg_body(%arg0: i32, %arg1: i32, %arg2: memref<2x6272x128xi32, #tpu.memory_space<hbm>>, %arg3: memref<128x16xf32, #tpu.memory_space<hbm>>, %arg4: memref<136x16xf32, #tpu.memory_space<hbm>>, %arg5: memref<2x50048x16xf32, #tpu.memory_space<hbm>>, %arg6: memref<50048x16xf32, #tpu.memory_space<vmem_shared>>, %arg7: memref<4x128xi32, #tpu.memory_space<vmem>>, %arg8: memref<128x16xf32, #tpu.memory_space<vmem>>, %arg9: memref<136x16xf32, #tpu.memory_space<vmem>>, %arg10: memref<!tpu.dma_semaphore, #tpu.memory_space<semaphore_mem>>) attributes {dimension_semantics = [#tpu.dimension_semantics<core_parallel>, #tpu.dimension_semantics<subcore_parallel>], iteration_bounds = array<i64: 2, 16>, scalar_prefetch = 0 : i64, scratch_operands = 5 : i64, tpu.core_type = #tpu.core_type<sc_vector_subcore>, window_params = [{transform_indices = #map}, {transform_indices = #map1}, {transform_indices = #map1}, {transform_indices = #map}]} {
    %mul3A = arith.constant 3128 : i32
    %mul3A_0 = arith.muli %arg1, %mul3A : i32
    "tpu.region"() ({
      %run_scoped3A = tpu.sem_alloc : memref<!tpu.dma_semaphore, #tpu.memory_space<semaphore_mem>>
      tpu.enqueue_dma source(%arg4 : memref<136x16xf32, #tpu.memory_space<hbm>>) target(%arg9 : memref<136x16xf32, #tpu.memory_space<vmem>>) target_semaphore(%run_scoped3A : memref<!tpu.dma_semaphore, #tpu.memory_space<semaphore_mem>>)
      tpu.wait_dma2 semaphore(%run_scoped3A : memref<!tpu.dma_semaphore, #tpu.memory_space<semaphore_mem>>) src(%arg4 : memref<136x16xf32, #tpu.memory_space<hbm>>) dst(%arg9 : memref<136x16xf32, #tpu.memory_space<vmem>>)
      tpu.yield
    }) : () -> ()
    "tpu.region"() ({
      %run_scoped3A = tpu.sem_alloc : memref<!tpu.dma_semaphore, #tpu.memory_space<semaphore_mem>>
      tpu.enqueue_dma source(%arg3 : memref<128x16xf32, #tpu.memory_space<hbm>>) target(%arg8 : memref<128x16xf32, #tpu.memory_space<vmem>>) target_semaphore(%run_scoped3A : memref<!tpu.dma_semaphore, #tpu.memory_space<semaphore_mem>>)
      tpu.wait_dma2 semaphore(%run_scoped3A : memref<!tpu.dma_semaphore, #tpu.memory_space<semaphore_mem>>) src(%arg3 : memref<128x16xf32, #tpu.memory_space<hbm>>) dst(%arg8 : memref<128x16xf32, #tpu.memory_space<vmem>>)
      tpu.yield
    }) : () -> ()
    %scan3A = arith.constant 0 : i32
    %scan3A_1 = arith.constant 23 : i32
    %scan3A_2 = arith.addi %scan3A, %scan3A_1 : i32
    %scan3A_3 = arith.constant 1 : i32
    scf.for %scan3A_16 = %scan3A to %scan3A_2 step %scan3A_3  : i32 {
      %mul3A_17 = arith.constant 1 : i32
      %mul3A_18 = arith.muli %scan3A_16, %mul3A_17 : i32
      %add3A = arith.constant 0 : i32
      %add3A_19 = arith.addi %add3A, %mul3A_18 : i32
      %mul3A_20 = arith.constant 136 : i32
      %mul3A_21 = arith.muli %add3A_19, %mul3A_20 : i32
      %add3A_22 = arith.addi %mul3A_0, %mul3A_21 : i32
      "tpu.region"() ({
        %run_scoped3A = tpu.sem_alloc : memref<!tpu.dma_semaphore, #tpu.memory_space<semaphore_mem>>
        %dma_start3A = arith.constant 0 : i32
        %dma_start3A_23 = tpu.memref_slice %arg6[%add3A_22, %dma_start3A] : memref<50048x16xf32, #tpu.memory_space<vmem_shared>> -> memref<136x16xf32, #tpu.memory_space<vmem_shared>>
        %dma_start3A_24 = arith.constant 0 : i32
        %dma_start3A_25 = tpu.memref_slice %arg6[%add3A_22, %dma_start3A_24] : memref<50048x16xf32, #tpu.memory_space<vmem_shared>> -> memref<136x16xf32, #tpu.memory_space<vmem_shared>>
        tpu.enqueue_dma source(%arg9 : memref<136x16xf32, #tpu.memory_space<vmem>>) target(%dma_start3A_25 : memref<136x16xf32, #tpu.memory_space<vmem_shared>>) target_semaphore(%run_scoped3A : memref<!tpu.dma_semaphore, #tpu.memory_space<semaphore_mem>>)
        %dma_wait3A = arith.constant 0 : i32
        %dma_wait3A_26 = tpu.memref_slice %arg6[%add3A_22, %dma_wait3A] : memref<50048x16xf32, #tpu.memory_space<vmem_shared>> -> memref<136x16xf32, #tpu.memory_space<vmem_shared>>
        %dma_wait3A_27 = arith.constant 0 : i32
        %dma_wait3A_28 = tpu.memref_slice %arg6[%add3A_22, %dma_wait3A_27] : memref<50048x16xf32, #tpu.memory_space<vmem_shared>> -> memref<136x16xf32, #tpu.memory_space<vmem_shared>>
        tpu.wait_dma2 semaphore(%run_scoped3A : memref<!tpu.dma_semaphore, #tpu.memory_space<semaphore_mem>>) src(%arg9 : memref<136x16xf32, #tpu.memory_space<vmem>>) dst(%dma_wait3A_28 : memref<136x16xf32, #tpu.memory_space<vmem_shared>>)
        tpu.yield
      }) : () -> ()
    }
    %scan3A_4 = arith.constant 23 : i32
    %barrier3A = arith.constant 0 : index
    tpu.barrier barrier_id(%barrier3A)
    %scan3A_5 = arith.constant 0 : i32
    %scan3A_6 = arith.constant 98 : i32
    %scan3A_7 = arith.addi %scan3A_5, %scan3A_6 : i32
    %scan3A_8 = arith.constant 1 : i32
    scf.for %scan3A_16 = %scan3A_5 to %scan3A_7 step %scan3A_8  : i32 {
      %mul3A_17 = arith.constant 1 : i32
      %mul3A_18 = arith.muli %scan3A_16, %mul3A_17 : i32
      %add3A = arith.constant 0 : i32
      %add3A_19 = arith.addi %add3A, %mul3A_18 : i32
      %mul3A_20 = arith.constant 392 : i32
      %mul3A_21 = arith.muli %arg1, %mul3A_20 : i32
      %mul3A_22 = arith.constant 4 : i32
      %mul3A_23 = arith.muli %add3A_19, %mul3A_22 : i32
      %add3A_24 = arith.addi %mul3A_21, %mul3A_23 : i32
      "tpu.region"() ({
        %run_scoped3A = tpu.sem_alloc : memref<!tpu.dma_semaphore, #tpu.memory_space<semaphore_mem>>
        %dma_start3A_79 = arith.constant 0 : i32
        %dma_start3A_80 = tpu.memref_slice %arg2[%arg0, %add3A_24, %dma_start3A_79] : memref<2x6272x128xi32, #tpu.memory_space<hbm>> -> memref<1x4x128xi32, #tpu.memory_space<hbm>>
        %dma_start3A_81 = tpu.memref_squeeze %dma_start3A_80 : memref<1x4x128xi32, #tpu.memory_space<hbm>> -> memref<4x128xi32, #tpu.memory_space<hbm>>
        %dma_start3A_82 = arith.constant 0 : i32
        %dma_start3A_83 = tpu.memref_slice %arg2[%arg0, %add3A_24, %dma_start3A_82] : memref<2x6272x128xi32, #tpu.memory_space<hbm>> -> memref<1x4x128xi32, #tpu.memory_space<hbm>>
        %dma_start3A_84 = tpu.memref_squeeze %dma_start3A_83 : memref<1x4x128xi32, #tpu.memory_space<hbm>> -> memref<4x128xi32, #tpu.memory_space<hbm>>
        tpu.enqueue_dma source(%dma_start3A_84 : memref<4x128xi32, #tpu.memory_space<hbm>>) target(%arg7 : memref<4x128xi32, #tpu.memory_space<vmem>>) target_semaphore(%run_scoped3A : memref<!tpu.dma_semaphore, #tpu.memory_space<semaphore_mem>>)
        %dma_wait3A_85 = arith.constant 0 : i32
        %dma_wait3A_86 = tpu.memref_slice %arg2[%arg0, %add3A_24, %dma_wait3A_85] : memref<2x6272x128xi32, #tpu.memory_space<hbm>> -> memref<1x4x128xi32, #tpu.memory_space<hbm>>
        %dma_wait3A_87 = tpu.memref_squeeze %dma_wait3A_86 : memref<1x4x128xi32, #tpu.memory_space<hbm>> -> memref<4x128xi32, #tpu.memory_space<hbm>>
        %dma_wait3A_88 = arith.constant 0 : i32
        %dma_wait3A_89 = tpu.memref_slice %arg2[%arg0, %add3A_24, %dma_wait3A_88] : memref<2x6272x128xi32, #tpu.memory_space<hbm>> -> memref<1x4x128xi32, #tpu.memory_space<hbm>>
        %dma_wait3A_90 = tpu.memref_squeeze %dma_wait3A_89 : memref<1x4x128xi32, #tpu.memory_space<hbm>> -> memref<4x128xi32, #tpu.memory_space<hbm>>
        tpu.wait_dma2 semaphore(%run_scoped3A : memref<!tpu.dma_semaphore, #tpu.memory_space<semaphore_mem>>) src(%dma_wait3A_90 : memref<4x128xi32, #tpu.memory_space<hbm>>) dst(%arg7 : memref<4x128xi32, #tpu.memory_space<vmem>>)
        tpu.yield
      }) : () -> ()
      %dma_start3A = arith.constant 0 : i32
      %dma_start3A_25 = arith.constant 0 : i32
      %dma_start3A_26 = tpu.memref_slice %arg7[%dma_start3A, %dma_start3A_25] : memref<4x128xi32, #tpu.memory_space<vmem>> -> memref<1x128xi32, #tpu.memory_space<vmem>>
      %dma_start3A_27 = tpu.memref_squeeze %dma_start3A_26 : memref<1x128xi32, #tpu.memory_space<vmem>> -> memref<128xi32, #tpu.memory_space<vmem>>
      %dma_start3A_28 = arith.constant 0 : i32
      %dma_start3A_29 = arith.constant 0 : i32
      %dma_start3A_30 = tpu.memref_slice %arg6[%dma_start3A_28, %dma_start3A_29] : memref<50048x16xf32, #tpu.memory_space<vmem_shared>> -> memref<50048x16xf32, #tpu.memory_space<vmem_shared>>
      tpu.enqueue_indirect_dma source(%arg8 : memref<128x16xf32, #tpu.memory_space<vmem>>) target(%dma_start3A_30 : memref<50048x16xf32, #tpu.memory_space<vmem_shared>>) offsets(%dma_start3A_27 : memref<128xi32, #tpu.memory_space<vmem>>) semaphore(%arg10 : memref<!tpu.dma_semaphore, #tpu.memory_space<semaphore_mem>>) {add = true}
      %dma_start3A_31 = arith.constant 1 : i32
      %dma_start3A_32 = arith.constant 0 : i32
      %dma_start3A_33 = tpu.memref_slice %arg7[%dma_start3A_31, %dma_start3A_32] : memref<4x128xi32, #tpu.memory_space<vmem>> -> memref<1x128xi32, #tpu.memory_space<vmem>>
      %dma_start3A_34 = tpu.memref_squeeze %dma_start3A_33 : memref<1x128xi32, #tpu.memory_space<vmem>> -> memref<128xi32, #tpu.memory_space<vmem>>
      %dma_start3A_35 = arith.constant 0 : i32
      %dma_start3A_36 = arith.constant 0 : i32
      %dma_start3A_37 = tpu.memref_slice %arg6[%dma_start3A_35, %dma_start3A_36] : memref<50048x16xf32, #tpu.memory_space<vmem_shared>> -> memref<50048x16xf32, #tpu.memory_space<vmem_shared>>
      tpu.enqueue_indirect_dma source(%arg8 : memref<128x16xf32, #tpu.memory_space<vmem>>) target(%dma_start3A_37 : memref<50048x16xf32, #tpu.memory_space<vmem_shared>>) offsets(%dma_start3A_34 : memref<128xi32, #tpu.memory_space<vmem>>) semaphore(%arg10 : memref<!tpu.dma_semaphore, #tpu.memory_space<semaphore_mem>>) {add = true}
      %dma_start3A_38 = arith.constant 2 : i32
      %dma_start3A_39 = arith.constant 0 : i32
      %dma_start3A_40 = tpu.memref_slice %arg7[%dma_start3A_38, %dma_start3A_39] : memref<4x128xi32, #tpu.memory_space<vmem>> -> memref<1x128xi32, #tpu.memory_space<vmem>>
      %dma_start3A_41 = tpu.memref_squeeze %dma_start3A_40 : memref<1x128xi32, #tpu.memory_space<vmem>> -> memref<128xi32, #tpu.memory_space<vmem>>
      %dma_start3A_42 = arith.constant 0 : i32
      %dma_start3A_43 = arith.constant 0 : i32
      %dma_start3A_44 = tpu.memref_slice %arg6[%dma_start3A_42, %dma_start3A_43] : memref<50048x16xf32, #tpu.memory_space<vmem_shared>> -> memref<50048x16xf32, #tpu.memory_space<vmem_shared>>
      tpu.enqueue_indirect_dma source(%arg8 : memref<128x16xf32, #tpu.memory_space<vmem>>) target(%dma_start3A_44 : memref<50048x16xf32, #tpu.memory_space<vmem_shared>>) offsets(%dma_start3A_41 : memref<128xi32, #tpu.memory_space<vmem>>) semaphore(%arg10 : memref<!tpu.dma_semaphore, #tpu.memory_space<semaphore_mem>>) {add = true}
      %dma_start3A_45 = arith.constant 3 : i32
      %dma_start3A_46 = arith.constant 0 : i32
      %dma_start3A_47 = tpu.memref_slice %arg7[%dma_start3A_45, %dma_start3A_46] : memref<4x128xi32, #tpu.memory_space<vmem>> -> memref<1x128xi32, #tpu.memory_space<vmem>>
      %dma_start3A_48 = tpu.memref_squeeze %dma_start3A_47 : memref<1x128xi32, #tpu.memory_space<vmem>> -> memref<128xi32, #tpu.memory_space<vmem>>
      %dma_start3A_49 = arith.constant 0 : i32
      %dma_start3A_50 = arith.constant 0 : i32
      %dma_start3A_51 = tpu.memref_slice %arg6[%dma_start3A_49, %dma_start3A_50] : memref<50048x16xf32, #tpu.memory_space<vmem_shared>> -> memref<50048x16xf32, #tpu.memory_space<vmem_shared>>
      tpu.enqueue_indirect_dma source(%arg8 : memref<128x16xf32, #tpu.memory_space<vmem>>) target(%dma_start3A_51 : memref<50048x16xf32, #tpu.memory_space<vmem_shared>>) offsets(%dma_start3A_48 : memref<128xi32, #tpu.memory_space<vmem>>) semaphore(%arg10 : memref<!tpu.dma_semaphore, #tpu.memory_space<semaphore_mem>>) {add = true}
      %dma_wait3A = arith.constant 0 : i32
      %dma_wait3A_52 = arith.constant 0 : i32
      %dma_wait3A_53 = tpu.memref_slice %arg7[%dma_wait3A, %dma_wait3A_52] : memref<4x128xi32, #tpu.memory_space<vmem>> -> memref<1x128xi32, #tpu.memory_space<vmem>>
      %dma_wait3A_54 = tpu.memref_squeeze %dma_wait3A_53 : memref<1x128xi32, #tpu.memory_space<vmem>> -> memref<128xi32, #tpu.memory_space<vmem>>
      %dma_wait3A_55 = arith.constant 0 : i32
      %dma_wait3A_56 = arith.constant 0 : i32
      %dma_wait3A_57 = tpu.memref_slice %arg6[%dma_wait3A_55, %dma_wait3A_56] : memref<50048x16xf32, #tpu.memory_space<vmem_shared>> -> memref<50048x16xf32, #tpu.memory_space<vmem_shared>>
      tpu.wait_indirect_dma semaphore(%arg10 : memref<!tpu.dma_semaphore, #tpu.memory_space<semaphore_mem>>) src(%arg8 : memref<128x16xf32, #tpu.memory_space<vmem>>) dst(%dma_wait3A_57 : memref<50048x16xf32, #tpu.memory_space<vmem_shared>>)
      %dma_wait3A_58 = arith.constant 1 : i32
      %dma_wait3A_59 = arith.constant 0 : i32
      %dma_wait3A_60 = tpu.memref_slice %arg7[%dma_wait3A_58, %dma_wait3A_59] : memref<4x128xi32, #tpu.memory_space<vmem>> -> memref<1x128xi32, #tpu.memory_space<vmem>>
      %dma_wait3A_61 = tpu.memref_squeeze %dma_wait3A_60 : memref<1x128xi32, #tpu.memory_space<vmem>> -> memref<128xi32, #tpu.memory_space<vmem>>
      %dma_wait3A_62 = arith.constant 0 : i32
      %dma_wait3A_63 = arith.constant 0 : i32
      %dma_wait3A_64 = tpu.memref_slice %arg6[%dma_wait3A_62, %dma_wait3A_63] : memref<50048x16xf32, #tpu.memory_space<vmem_shared>> -> memref<50048x16xf32, #tpu.memory_space<vmem_shared>>
      tpu.wait_indirect_dma semaphore(%arg10 : memref<!tpu.dma_semaphore, #tpu.memory_space<semaphore_mem>>) src(%arg8 : memref<128x16xf32, #tpu.memory_space<vmem>>) dst(%dma_wait3A_64 : memref<50048x16xf32, #tpu.memory_space<vmem_shared>>)
      %dma_wait3A_65 = arith.constant 2 : i32
      %dma_wait3A_66 = arith.constant 0 : i32
      %dma_wait3A_67 = tpu.memref_slice %arg7[%dma_wait3A_65, %dma_wait3A_66] : memref<4x128xi32, #tpu.memory_space<vmem>> -> memref<1x128xi32, #tpu.memory_space<vmem>>
      %dma_wait3A_68 = tpu.memref_squeeze %dma_wait3A_67 : memref<1x128xi32, #tpu.memory_space<vmem>> -> memref<128xi32, #tpu.memory_space<vmem>>
      %dma_wait3A_69 = arith.constant 0 : i32
      %dma_wait3A_70 = arith.constant 0 : i32
      %dma_wait3A_71 = tpu.memref_slice %arg6[%dma_wait3A_69, %dma_wait3A_70] : memref<50048x16xf32, #tpu.memory_space<vmem_shared>> -> memref<50048x16xf32, #tpu.memory_space<vmem_shared>>
      tpu.wait_indirect_dma semaphore(%arg10 : memref<!tpu.dma_semaphore, #tpu.memory_space<semaphore_mem>>) src(%arg8 : memref<128x16xf32, #tpu.memory_space<vmem>>) dst(%dma_wait3A_71 : memref<50048x16xf32, #tpu.memory_space<vmem_shared>>)
      %dma_wait3A_72 = arith.constant 3 : i32
      %dma_wait3A_73 = arith.constant 0 : i32
      %dma_wait3A_74 = tpu.memref_slice %arg7[%dma_wait3A_72, %dma_wait3A_73] : memref<4x128xi32, #tpu.memory_space<vmem>> -> memref<1x128xi32, #tpu.memory_space<vmem>>
      %dma_wait3A_75 = tpu.memref_squeeze %dma_wait3A_74 : memref<1x128xi32, #tpu.memory_space<vmem>> -> memref<128xi32, #tpu.memory_space<vmem>>
      %dma_wait3A_76 = arith.constant 0 : i32
      %dma_wait3A_77 = arith.constant 0 : i32
      %dma_wait3A_78 = tpu.memref_slice %arg6[%dma_wait3A_76, %dma_wait3A_77] : memref<50048x16xf32, #tpu.memory_space<vmem_shared>> -> memref<50048x16xf32, #tpu.memory_space<vmem_shared>>
      tpu.wait_indirect_dma semaphore(%arg10 : memref<!tpu.dma_semaphore, #tpu.memory_space<semaphore_mem>>) src(%arg8 : memref<128x16xf32, #tpu.memory_space<vmem>>) dst(%dma_wait3A_78 : memref<50048x16xf32, #tpu.memory_space<vmem_shared>>)
    }
    %scan3A_9 = arith.constant 98 : i32
    %barrier3A_10 = arith.constant 0 : index
    tpu.barrier barrier_id(%barrier3A_10)
    %scan3A_11 = arith.constant 0 : i32
    %scan3A_12 = arith.constant 23 : i32
    %scan3A_13 = arith.addi %scan3A_11, %scan3A_12 : i32
    %scan3A_14 = arith.constant 1 : i32
    scf.for %scan3A_16 = %scan3A_11 to %scan3A_13 step %scan3A_14  : i32 {
      %mul3A_17 = arith.constant 1 : i32
      %mul3A_18 = arith.muli %scan3A_16, %mul3A_17 : i32
      %add3A = arith.constant 0 : i32
      %add3A_19 = arith.addi %add3A, %mul3A_18 : i32
      %mul3A_20 = arith.constant 136 : i32
      %mul3A_21 = arith.muli %add3A_19, %mul3A_20 : i32
      %add3A_22 = arith.addi %mul3A_0, %mul3A_21 : i32
      "tpu.region"() ({
        %run_scoped3A = tpu.sem_alloc : memref<!tpu.dma_semaphore, #tpu.memory_space<semaphore_mem>>
        %dma_start3A = arith.constant 0 : i32
        %dma_start3A_23 = tpu.memref_slice %arg6[%add3A_22, %dma_start3A] : memref<50048x16xf32, #tpu.memory_space<vmem_shared>> -> memref<136x16xf32, #tpu.memory_space<vmem_shared>>
        %dma_start3A_24 = arith.constant 0 : i32
        %dma_start3A_25 = tpu.memref_slice %arg6[%add3A_22, %dma_start3A_24] : memref<50048x16xf32, #tpu.memory_space<vmem_shared>> -> memref<136x16xf32, #tpu.memory_space<vmem_shared>>
        tpu.enqueue_dma source(%dma_start3A_25 : memref<136x16xf32, #tpu.memory_space<vmem_shared>>) target(%arg9 : memref<136x16xf32, #tpu.memory_space<vmem>>) target_semaphore(%run_scoped3A : memref<!tpu.dma_semaphore, #tpu.memory_space<semaphore_mem>>)
        %dma_wait3A = arith.constant 0 : i32
        %dma_wait3A_26 = tpu.memref_slice %arg6[%add3A_22, %dma_wait3A] : memref<50048x16xf32, #tpu.memory_space<vmem_shared>> -> memref<136x16xf32, #tpu.memory_space<vmem_shared>>
        %dma_wait3A_27 = arith.constant 0 : i32
        %dma_wait3A_28 = tpu.memref_slice %arg6[%add3A_22, %dma_wait3A_27] : memref<50048x16xf32, #tpu.memory_space<vmem_shared>> -> memref<136x16xf32, #tpu.memory_space<vmem_shared>>
        tpu.wait_dma2 semaphore(%run_scoped3A : memref<!tpu.dma_semaphore, #tpu.memory_space<semaphore_mem>>) src(%dma_wait3A_28 : memref<136x16xf32, #tpu.memory_space<vmem_shared>>) dst(%arg9 : memref<136x16xf32, #tpu.memory_space<vmem>>)
        tpu.yield
      }) : () -> ()
      "tpu.region"() ({
        %run_scoped3A = tpu.sem_alloc : memref<!tpu.dma_semaphore, #tpu.memory_space<semaphore_mem>>
        %dma_start3A = arith.constant 0 : i32
        %dma_start3A_23 = tpu.memref_slice %arg5[%arg0, %add3A_22, %dma_start3A] : memref<2x50048x16xf32, #tpu.memory_space<hbm>> -> memref<1x136x16xf32, #tpu.memory_space<hbm>>
        %dma_start3A_24 = tpu.memref_squeeze %dma_start3A_23 : memref<1x136x16xf32, #tpu.memory_space<hbm>> -> memref<136x16xf32, #tpu.memory_space<hbm>>
        %dma_start3A_25 = arith.constant 0 : i32
        %dma_start3A_26 = tpu.memref_slice %arg5[%arg0, %add3A_22, %dma_start3A_25] : memref<2x50048x16xf32, #tpu.memory_space<hbm>> -> memref<1x136x16xf32, #tpu.memory_space<hbm>>
        %dma_start3A_27 = tpu.memref_squeeze %dma_start3A_26 : memref<1x136x16xf32, #tpu.memory_space<hbm>> -> memref<136x16xf32, #tpu.memory_space<hbm>>
        tpu.enqueue_dma source(%arg9 : memref<136x16xf32, #tpu.memory_space<vmem>>) target(%dma_start3A_27 : memref<136x16xf32, #tpu.memory_space<hbm>>) target_semaphore(%run_scoped3A : memref<!tpu.dma_semaphore, #tpu.memory_space<semaphore_mem>>)
        %dma_wait3A = arith.constant 0 : i32
        %dma_wait3A_28 = tpu.memref_slice %arg5[%arg0, %add3A_22, %dma_wait3A] : memref<2x50048x16xf32, #tpu.memory_space<hbm>> -> memref<1x136x16xf32, #tpu.memory_space<hbm>>
        %dma_wait3A_29 = tpu.memref_squeeze %dma_wait3A_28 : memref<1x136x16xf32, #tpu.memory_space<hbm>> -> memref<136x16xf32, #tpu.memory_space<hbm>>
        %dma_wait3A_30 = arith.constant 0 : i32
        %dma_wait3A_31 = tpu.memref_slice %arg5[%arg0, %add3A_22, %dma_wait3A_30] : memref<2x50048x16xf32, #tpu.memory_space<hbm>> -> memref<1x136x16xf32, #tpu.memory_space<hbm>>
        %dma_wait3A_32 = tpu.memref_squeeze %dma_wait3A_31 : memref<1x136x16xf32, #tpu.memory_space<hbm>> -> memref<136x16xf32, #tpu.memory_space<hbm>>
        tpu.wait_dma2 semaphore(%run_scoped3A : memref<!tpu.dma_semaphore, #tpu.memory_space<semaphore_mem>>) src(%arg9 : memref<136x16xf32, #tpu.memory_space<vmem>>) dst(%dma_wait3A_32 : memref<136x16xf32, #tpu.memory_space<hbm>>)
        tpu.yield
      }) : () -> ()
    }
    %scan3A_15 = arith.constant 23 : i32
    return
  }
}

#map = affine_map<(d0, d1) -> (0, 0)>
#map1 = affine_map<(d0, d1) -> (0, 0, 0)>
module attributes {stable_mosaic.version = 14 : i64} {
  func.func @_seg_body(%arg0: i32, %arg1: i32, %arg2: memref<50000x32xf32, #tpu.memory_space<hbm>>, %arg3: memref<2x6272x128xi32, #tpu.memory_space<hbm>>, %arg4: memref<2x6272x128xi32, #tpu.memory_space<hbm>>, %arg5: memref<136x32xf32, #tpu.memory_space<hbm>>, %arg6: memref<2x50048x32xf32, #tpu.memory_space<hbm>>, %arg7: memref<50048x32xf32, #tpu.memory_space<vmem_shared>>, %arg8: memref<4x128xi32, #tpu.memory_space<vmem>>, %arg9: memref<4x128xi32, #tpu.memory_space<vmem>>, %arg10: memref<4x128x32xf32, #tpu.memory_space<vmem>>, %arg11: memref<136x32xf32, #tpu.memory_space<vmem>>, %arg12: memref<!tpu.dma_semaphore, #tpu.memory_space<semaphore_mem>>, %arg13: memref<!tpu.dma_semaphore, #tpu.memory_space<semaphore_mem>>) attributes {dimension_semantics = [#tpu.dimension_semantics<core_parallel>, #tpu.dimension_semantics<subcore_parallel>], iteration_bounds = array<i64: 2, 16>, scalar_prefetch = 0 : i64, scratch_operands = 7 : i64, tpu.core_type = #tpu.core_type<sc_vector_subcore>, window_params = [{transform_indices = #map}, {transform_indices = #map1}, {transform_indices = #map1}, {transform_indices = #map}, {transform_indices = #map1}]} {
    %mul3A = arith.constant 3128 : i32
    %mul3A_0 = arith.muli %arg1, %mul3A : i32
    "tpu.region"() ({
      %run_scoped3A = tpu.sem_alloc : memref<!tpu.dma_semaphore, #tpu.memory_space<semaphore_mem>>
      tpu.enqueue_dma source(%arg5 : memref<136x32xf32, #tpu.memory_space<hbm>>) target(%arg11 : memref<136x32xf32, #tpu.memory_space<vmem>>) target_semaphore(%run_scoped3A : memref<!tpu.dma_semaphore, #tpu.memory_space<semaphore_mem>>)
      tpu.wait_dma2 semaphore(%run_scoped3A : memref<!tpu.dma_semaphore, #tpu.memory_space<semaphore_mem>>) src(%arg5 : memref<136x32xf32, #tpu.memory_space<hbm>>) dst(%arg11 : memref<136x32xf32, #tpu.memory_space<vmem>>)
      tpu.yield
    }) : () -> ()
    %scan3A = arith.constant 0 : i32
    %scan3A_1 = arith.constant 23 : i32
    %scan3A_2 = arith.addi %scan3A, %scan3A_1 : i32
    %scan3A_3 = arith.constant 1 : i32
    scf.for %scan3A_16 = %scan3A to %scan3A_2 step %scan3A_3  : i32 {
      %mul3A_17 = arith.constant 1 : i32
      %mul3A_18 = arith.muli %scan3A_16, %mul3A_17 : i32
      %add3A = arith.constant 0 : i32
      %add3A_19 = arith.addi %add3A, %mul3A_18 : i32
      %mul3A_20 = arith.constant 136 : i32
      %mul3A_21 = arith.muli %add3A_19, %mul3A_20 : i32
      %add3A_22 = arith.addi %mul3A_0, %mul3A_21 : i32
      "tpu.region"() ({
        %run_scoped3A = tpu.sem_alloc : memref<!tpu.dma_semaphore, #tpu.memory_space<semaphore_mem>>
        %dma_start3A = arith.constant 0 : i32
        %dma_start3A_23 = tpu.memref_slice %arg7[%add3A_22, %dma_start3A] : memref<50048x32xf32, #tpu.memory_space<vmem_shared>> -> memref<136x32xf32, #tpu.memory_space<vmem_shared>>
        %dma_start3A_24 = arith.constant 0 : i32
        %dma_start3A_25 = tpu.memref_slice %arg7[%add3A_22, %dma_start3A_24] : memref<50048x32xf32, #tpu.memory_space<vmem_shared>> -> memref<136x32xf32, #tpu.memory_space<vmem_shared>>
        tpu.enqueue_dma source(%arg11 : memref<136x32xf32, #tpu.memory_space<vmem>>) target(%dma_start3A_25 : memref<136x32xf32, #tpu.memory_space<vmem_shared>>) target_semaphore(%run_scoped3A : memref<!tpu.dma_semaphore, #tpu.memory_space<semaphore_mem>>)
        %dma_wait3A = arith.constant 0 : i32
        %dma_wait3A_26 = tpu.memref_slice %arg7[%add3A_22, %dma_wait3A] : memref<50048x32xf32, #tpu.memory_space<vmem_shared>> -> memref<136x32xf32, #tpu.memory_space<vmem_shared>>
        %dma_wait3A_27 = arith.constant 0 : i32
        %dma_wait3A_28 = tpu.memref_slice %arg7[%add3A_22, %dma_wait3A_27] : memref<50048x32xf32, #tpu.memory_space<vmem_shared>> -> memref<136x32xf32, #tpu.memory_space<vmem_shared>>
        tpu.wait_dma2 semaphore(%run_scoped3A : memref<!tpu.dma_semaphore, #tpu.memory_space<semaphore_mem>>) src(%arg11 : memref<136x32xf32, #tpu.memory_space<vmem>>) dst(%dma_wait3A_28 : memref<136x32xf32, #tpu.memory_space<vmem_shared>>)
        tpu.yield
      }) : () -> ()
    }
    %scan3A_4 = arith.constant 23 : i32
    %barrier3A = arith.constant 0 : index
    tpu.barrier barrier_id(%barrier3A)
    %scan3A_5 = arith.constant 0 : i32
    %scan3A_6 = arith.constant 98 : i32
    %scan3A_7 = arith.addi %scan3A_5, %scan3A_6 : i32
    %scan3A_8 = arith.constant 1 : i32
    scf.for %scan3A_16 = %scan3A_5 to %scan3A_7 step %scan3A_8  : i32 {
      %mul3A_17 = arith.constant 1 : i32
      %mul3A_18 = arith.muli %scan3A_16, %mul3A_17 : i32
      %add3A = arith.constant 0 : i32
      %add3A_19 = arith.addi %add3A, %mul3A_18 : i32
      %mul3A_20 = arith.constant 392 : i32
      %mul3A_21 = arith.muli %arg1, %mul3A_20 : i32
      %mul3A_22 = arith.constant 4 : i32
      %mul3A_23 = arith.muli %add3A_19, %mul3A_22 : i32
      %add3A_24 = arith.addi %mul3A_21, %mul3A_23 : i32
      "tpu.region"() ({
        %run_scoped3A = tpu.sem_alloc : memref<!tpu.dma_semaphore, #tpu.memory_space<semaphore_mem>>
        %dma_start3A_215 = arith.constant 0 : i32
        %dma_start3A_216 = tpu.memref_slice %arg3[%arg0, %add3A_24, %dma_start3A_215] : memref<2x6272x128xi32, #tpu.memory_space<hbm>> -> memref<1x4x128xi32, #tpu.memory_space<hbm>>
        %dma_start3A_217 = tpu.memref_squeeze %dma_start3A_216 : memref<1x4x128xi32, #tpu.memory_space<hbm>> -> memref<4x128xi32, #tpu.memory_space<hbm>>
        %dma_start3A_218 = arith.constant 0 : i32
        %dma_start3A_219 = tpu.memref_slice %arg3[%arg0, %add3A_24, %dma_start3A_218] : memref<2x6272x128xi32, #tpu.memory_space<hbm>> -> memref<1x4x128xi32, #tpu.memory_space<hbm>>
        %dma_start3A_220 = tpu.memref_squeeze %dma_start3A_219 : memref<1x4x128xi32, #tpu.memory_space<hbm>> -> memref<4x128xi32, #tpu.memory_space<hbm>>
        tpu.enqueue_dma source(%dma_start3A_220 : memref<4x128xi32, #tpu.memory_space<hbm>>) target(%arg8 : memref<4x128xi32, #tpu.memory_space<vmem>>) target_semaphore(%run_scoped3A : memref<!tpu.dma_semaphore, #tpu.memory_space<semaphore_mem>>)
        %dma_wait3A_221 = arith.constant 0 : i32
        %dma_wait3A_222 = tpu.memref_slice %arg3[%arg0, %add3A_24, %dma_wait3A_221] : memref<2x6272x128xi32, #tpu.memory_space<hbm>> -> memref<1x4x128xi32, #tpu.memory_space<hbm>>
        %dma_wait3A_223 = tpu.memref_squeeze %dma_wait3A_222 : memref<1x4x128xi32, #tpu.memory_space<hbm>> -> memref<4x128xi32, #tpu.memory_space<hbm>>
        %dma_wait3A_224 = arith.constant 0 : i32
        %dma_wait3A_225 = tpu.memref_slice %arg3[%arg0, %add3A_24, %dma_wait3A_224] : memref<2x6272x128xi32, #tpu.memory_space<hbm>> -> memref<1x4x128xi32, #tpu.memory_space<hbm>>
        %dma_wait3A_226 = tpu.memref_squeeze %dma_wait3A_225 : memref<1x4x128xi32, #tpu.memory_space<hbm>> -> memref<4x128xi32, #tpu.memory_space<hbm>>
        tpu.wait_dma2 semaphore(%run_scoped3A : memref<!tpu.dma_semaphore, #tpu.memory_space<semaphore_mem>>) src(%dma_wait3A_226 : memref<4x128xi32, #tpu.memory_space<hbm>>) dst(%arg8 : memref<4x128xi32, #tpu.memory_space<vmem>>)
        tpu.yield
      }) : () -> ()
      "tpu.region"() ({
        %run_scoped3A = tpu.sem_alloc : memref<!tpu.dma_semaphore, #tpu.memory_space<semaphore_mem>>
        %dma_start3A_215 = arith.constant 0 : i32
        %dma_start3A_216 = tpu.memref_slice %arg4[%arg0, %add3A_24, %dma_start3A_215] : memref<2x6272x128xi32, #tpu.memory_space<hbm>> -> memref<1x4x128xi32, #tpu.memory_space<hbm>>
        %dma_start3A_217 = tpu.memref_squeeze %dma_start3A_216 : memref<1x4x128xi32, #tpu.memory_space<hbm>> -> memref<4x128xi32, #tpu.memory_space<hbm>>
        %dma_start3A_218 = arith.constant 0 : i32
        %dma_start3A_219 = tpu.memref_slice %arg4[%arg0, %add3A_24, %dma_start3A_218] : memref<2x6272x128xi32, #tpu.memory_space<hbm>> -> memref<1x4x128xi32, #tpu.memory_space<hbm>>
        %dma_start3A_220 = tpu.memref_squeeze %dma_start3A_219 : memref<1x4x128xi32, #tpu.memory_space<hbm>> -> memref<4x128xi32, #tpu.memory_space<hbm>>
        tpu.enqueue_dma source(%dma_start3A_220 : memref<4x128xi32, #tpu.memory_space<hbm>>) target(%arg9 : memref<4x128xi32, #tpu.memory_space<vmem>>) target_semaphore(%run_scoped3A : memref<!tpu.dma_semaphore, #tpu.memory_space<semaphore_mem>>)
        %dma_wait3A_221 = arith.constant 0 : i32
        %dma_wait3A_222 = tpu.memref_slice %arg4[%arg0, %add3A_24, %dma_wait3A_221] : memref<2x6272x128xi32, #tpu.memory_space<hbm>> -> memref<1x4x128xi32, #tpu.memory_space<hbm>>
        %dma_wait3A_223 = tpu.memref_squeeze %dma_wait3A_222 : memref<1x4x128xi32, #tpu.memory_space<hbm>> -> memref<4x128xi32, #tpu.memory_space<hbm>>
        %dma_wait3A_224 = arith.constant 0 : i32
        %dma_wait3A_225 = tpu.memref_slice %arg4[%arg0, %add3A_24, %dma_wait3A_224] : memref<2x6272x128xi32, #tpu.memory_space<hbm>> -> memref<1x4x128xi32, #tpu.memory_space<hbm>>
        %dma_wait3A_226 = tpu.memref_squeeze %dma_wait3A_225 : memref<1x4x128xi32, #tpu.memory_space<hbm>> -> memref<4x128xi32, #tpu.memory_space<hbm>>
        tpu.wait_dma2 semaphore(%run_scoped3A : memref<!tpu.dma_semaphore, #tpu.memory_space<semaphore_mem>>) src(%dma_wait3A_226 : memref<4x128xi32, #tpu.memory_space<hbm>>) dst(%arg9 : memref<4x128xi32, #tpu.memory_space<vmem>>)
        tpu.yield
      }) : () -> ()
      %dma_start3A = arith.constant 0 : i32
      %dma_start3A_25 = arith.constant 0 : i32
      %dma_start3A_26 = arith.constant 0 : i32
      %dma_start3A_27 = arith.constant 0 : i32
      %dma_start3A_28 = tpu.memref_slice %arg10[%dma_start3A_25, %dma_start3A_26, %dma_start3A_27] : memref<4x128x32xf32, #tpu.memory_space<vmem>> -> memref<1x128x32xf32, #tpu.memory_space<vmem>>
      %dma_start3A_29 = tpu.memref_squeeze %dma_start3A_28 : memref<1x128x32xf32, #tpu.memory_space<vmem>> -> memref<128x32xf32, #tpu.memory_space<vmem>>
      %dma_start3A_30 = arith.constant 0 : i32
      %dma_start3A_31 = tpu.memref_slice %arg8[%dma_start3A, %dma_start3A_30] : memref<4x128xi32, #tpu.memory_space<vmem>> -> memref<1x128xi32, #tpu.memory_space<vmem>>
      %dma_start3A_32 = tpu.memref_squeeze %dma_start3A_31 : memref<1x128xi32, #tpu.memory_space<vmem>> -> memref<128xi32, #tpu.memory_space<vmem>>
      %dma_start3A_33 = arith.constant 0 : i32
      %dma_start3A_34 = arith.constant 0 : i32
      %dma_start3A_35 = tpu.memref_slice %arg2[%dma_start3A_33, %dma_start3A_34] : memref<50000x32xf32, #tpu.memory_space<hbm>> -> memref<50000x32xf32, #tpu.memory_space<hbm>>
      tpu.enqueue_indirect_dma source(%dma_start3A_35 : memref<50000x32xf32, #tpu.memory_space<hbm>>) target(%dma_start3A_29 : memref<128x32xf32, #tpu.memory_space<vmem>>) offsets(%dma_start3A_32 : memref<128xi32, #tpu.memory_space<vmem>>) semaphore(%arg12 : memref<!tpu.dma_semaphore, #tpu.memory_space<semaphore_mem>>)
      %dma_start3A_36 = arith.constant 1 : i32
      %dma_start3A_37 = arith.constant 1 : i32
      %dma_start3A_38 = arith.constant 0 : i32
      %dma_start3A_39 = arith.constant 0 : i32
      %dma_start3A_40 = tpu.memref_slice %arg10[%dma_start3A_37, %dma_start3A_38, %dma_start3A_39] : memref<4x128x32xf32, #tpu.memory_space<vmem>> -> memref<1x128x32xf32, #tpu.memory_space<vmem>>
      %dma_start3A_41 = tpu.memref_squeeze %dma_start3A_40 : memref<1x128x32xf32, #tpu.memory_space<vmem>> -> memref<128x32xf32, #tpu.memory_space<vmem>>
      %dma_start3A_42 = arith.constant 0 : i32
      %dma_start3A_43 = tpu.memref_slice %arg8[%dma_start3A_36, %dma_start3A_42] : memref<4x128xi32, #tpu.memory_space<vmem>> -> memref<1x128xi32, #tpu.memory_space<vmem>>
      %dma_start3A_44 = tpu.memref_squeeze %dma_start3A_43 : memref<1x128xi32, #tpu.memory_space<vmem>> -> memref<128xi32, #tpu.memory_space<vmem>>
      %dma_start3A_45 = arith.constant 0 : i32
      %dma_start3A_46 = arith.constant 0 : i32
      %dma_start3A_47 = tpu.memref_slice %arg2[%dma_start3A_45, %dma_start3A_46] : memref<50000x32xf32, #tpu.memory_space<hbm>> -> memref<50000x32xf32, #tpu.memory_space<hbm>>
      tpu.enqueue_indirect_dma source(%dma_start3A_47 : memref<50000x32xf32, #tpu.memory_space<hbm>>) target(%dma_start3A_41 : memref<128x32xf32, #tpu.memory_space<vmem>>) offsets(%dma_start3A_44 : memref<128xi32, #tpu.memory_space<vmem>>) semaphore(%arg12 : memref<!tpu.dma_semaphore, #tpu.memory_space<semaphore_mem>>)
      %dma_start3A_48 = arith.constant 2 : i32
      %dma_start3A_49 = arith.constant 2 : i32
      %dma_start3A_50 = arith.constant 0 : i32
      %dma_start3A_51 = arith.constant 0 : i32
      %dma_start3A_52 = tpu.memref_slice %arg10[%dma_start3A_49, %dma_start3A_50, %dma_start3A_51] : memref<4x128x32xf32, #tpu.memory_space<vmem>> -> memref<1x128x32xf32, #tpu.memory_space<vmem>>
      %dma_start3A_53 = tpu.memref_squeeze %dma_start3A_52 : memref<1x128x32xf32, #tpu.memory_space<vmem>> -> memref<128x32xf32, #tpu.memory_space<vmem>>
      %dma_start3A_54 = arith.constant 0 : i32
      %dma_start3A_55 = tpu.memref_slice %arg8[%dma_start3A_48, %dma_start3A_54] : memref<4x128xi32, #tpu.memory_space<vmem>> -> memref<1x128xi32, #tpu.memory_space<vmem>>
      %dma_start3A_56 = tpu.memref_squeeze %dma_start3A_55 : memref<1x128xi32, #tpu.memory_space<vmem>> -> memref<128xi32, #tpu.memory_space<vmem>>
      %dma_start3A_57 = arith.constant 0 : i32
      %dma_start3A_58 = arith.constant 0 : i32
      %dma_start3A_59 = tpu.memref_slice %arg2[%dma_start3A_57, %dma_start3A_58] : memref<50000x32xf32, #tpu.memory_space<hbm>> -> memref<50000x32xf32, #tpu.memory_space<hbm>>
      tpu.enqueue_indirect_dma source(%dma_start3A_59 : memref<50000x32xf32, #tpu.memory_space<hbm>>) target(%dma_start3A_53 : memref<128x32xf32, #tpu.memory_space<vmem>>) offsets(%dma_start3A_56 : memref<128xi32, #tpu.memory_space<vmem>>) semaphore(%arg12 : memref<!tpu.dma_semaphore, #tpu.memory_space<semaphore_mem>>)
      %dma_start3A_60 = arith.constant 3 : i32
      %dma_start3A_61 = arith.constant 3 : i32
      %dma_start3A_62 = arith.constant 0 : i32
      %dma_start3A_63 = arith.constant 0 : i32
      %dma_start3A_64 = tpu.memref_slice %arg10[%dma_start3A_61, %dma_start3A_62, %dma_start3A_63] : memref<4x128x32xf32, #tpu.memory_space<vmem>> -> memref<1x128x32xf32, #tpu.memory_space<vmem>>
      %dma_start3A_65 = tpu.memref_squeeze %dma_start3A_64 : memref<1x128x32xf32, #tpu.memory_space<vmem>> -> memref<128x32xf32, #tpu.memory_space<vmem>>
      %dma_start3A_66 = arith.constant 0 : i32
      %dma_start3A_67 = tpu.memref_slice %arg8[%dma_start3A_60, %dma_start3A_66] : memref<4x128xi32, #tpu.memory_space<vmem>> -> memref<1x128xi32, #tpu.memory_space<vmem>>
      %dma_start3A_68 = tpu.memref_squeeze %dma_start3A_67 : memref<1x128xi32, #tpu.memory_space<vmem>> -> memref<128xi32, #tpu.memory_space<vmem>>
      %dma_start3A_69 = arith.constant 0 : i32
      %dma_start3A_70 = arith.constant 0 : i32
      %dma_start3A_71 = tpu.memref_slice %arg2[%dma_start3A_69, %dma_start3A_70] : memref<50000x32xf32, #tpu.memory_space<hbm>> -> memref<50000x32xf32, #tpu.memory_space<hbm>>
      tpu.enqueue_indirect_dma source(%dma_start3A_71 : memref<50000x32xf32, #tpu.memory_space<hbm>>) target(%dma_start3A_65 : memref<128x32xf32, #tpu.memory_space<vmem>>) offsets(%dma_start3A_68 : memref<128xi32, #tpu.memory_space<vmem>>) semaphore(%arg12 : memref<!tpu.dma_semaphore, #tpu.memory_space<semaphore_mem>>)
      %dma_wait3A = arith.constant 0 : i32
      %dma_wait3A_72 = arith.constant 0 : i32
      %dma_wait3A_73 = arith.constant 0 : i32
      %dma_wait3A_74 = arith.constant 0 : i32
      %dma_wait3A_75 = tpu.memref_slice %arg10[%dma_wait3A_72, %dma_wait3A_73, %dma_wait3A_74] : memref<4x128x32xf32, #tpu.memory_space<vmem>> -> memref<1x128x32xf32, #tpu.memory_space<vmem>>
      %dma_wait3A_76 = tpu.memref_squeeze %dma_wait3A_75 : memref<1x128x32xf32, #tpu.memory_space<vmem>> -> memref<128x32xf32, #tpu.memory_space<vmem>>
      %dma_wait3A_77 = arith.constant 0 : i32
      %dma_wait3A_78 = tpu.memref_slice %arg8[%dma_wait3A, %dma_wait3A_77] : memref<4x128xi32, #tpu.memory_space<vmem>> -> memref<1x128xi32, #tpu.memory_space<vmem>>
      %dma_wait3A_79 = tpu.memref_squeeze %dma_wait3A_78 : memref<1x128xi32, #tpu.memory_space<vmem>> -> memref<128xi32, #tpu.memory_space<vmem>>
      %dma_wait3A_80 = arith.constant 0 : i32
      %dma_wait3A_81 = arith.constant 0 : i32
      %dma_wait3A_82 = tpu.memref_slice %arg2[%dma_wait3A_80, %dma_wait3A_81] : memref<50000x32xf32, #tpu.memory_space<hbm>> -> memref<50000x32xf32, #tpu.memory_space<hbm>>
      tpu.wait_indirect_dma semaphore(%arg12 : memref<!tpu.dma_semaphore, #tpu.memory_space<semaphore_mem>>) src(%dma_wait3A_82 : memref<50000x32xf32, #tpu.memory_space<hbm>>) dst(%dma_wait3A_76 : memref<128x32xf32, #tpu.memory_space<vmem>>)
      %dma_wait3A_83 = arith.constant 1 : i32
      %dma_wait3A_84 = arith.constant 1 : i32
      %dma_wait3A_85 = arith.constant 0 : i32
      %dma_wait3A_86 = arith.constant 0 : i32
      %dma_wait3A_87 = tpu.memref_slice %arg10[%dma_wait3A_84, %dma_wait3A_85, %dma_wait3A_86] : memref<4x128x32xf32, #tpu.memory_space<vmem>> -> memref<1x128x32xf32, #tpu.memory_space<vmem>>
      %dma_wait3A_88 = tpu.memref_squeeze %dma_wait3A_87 : memref<1x128x32xf32, #tpu.memory_space<vmem>> -> memref<128x32xf32, #tpu.memory_space<vmem>>
      %dma_wait3A_89 = arith.constant 0 : i32
      %dma_wait3A_90 = tpu.memref_slice %arg8[%dma_wait3A_83, %dma_wait3A_89] : memref<4x128xi32, #tpu.memory_space<vmem>> -> memref<1x128xi32, #tpu.memory_space<vmem>>
      %dma_wait3A_91 = tpu.memref_squeeze %dma_wait3A_90 : memref<1x128xi32, #tpu.memory_space<vmem>> -> memref<128xi32, #tpu.memory_space<vmem>>
      %dma_wait3A_92 = arith.constant 0 : i32
      %dma_wait3A_93 = arith.constant 0 : i32
      %dma_wait3A_94 = tpu.memref_slice %arg2[%dma_wait3A_92, %dma_wait3A_93] : memref<50000x32xf32, #tpu.memory_space<hbm>> -> memref<50000x32xf32, #tpu.memory_space<hbm>>
      tpu.wait_indirect_dma semaphore(%arg12 : memref<!tpu.dma_semaphore, #tpu.memory_space<semaphore_mem>>) src(%dma_wait3A_94 : memref<50000x32xf32, #tpu.memory_space<hbm>>) dst(%dma_wait3A_88 : memref<128x32xf32, #tpu.memory_space<vmem>>)
      %dma_wait3A_95 = arith.constant 2 : i32
      %dma_wait3A_96 = arith.constant 2 : i32
      %dma_wait3A_97 = arith.constant 0 : i32
      %dma_wait3A_98 = arith.constant 0 : i32
      %dma_wait3A_99 = tpu.memref_slice %arg10[%dma_wait3A_96, %dma_wait3A_97, %dma_wait3A_98] : memref<4x128x32xf32, #tpu.memory_space<vmem>> -> memref<1x128x32xf32, #tpu.memory_space<vmem>>
      %dma_wait3A_100 = tpu.memref_squeeze %dma_wait3A_99 : memref<1x128x32xf32, #tpu.memory_space<vmem>> -> memref<128x32xf32, #tpu.memory_space<vmem>>
      %dma_wait3A_101 = arith.constant 0 : i32
      %dma_wait3A_102 = tpu.memref_slice %arg8[%dma_wait3A_95, %dma_wait3A_101] : memref<4x128xi32, #tpu.memory_space<vmem>> -> memref<1x128xi32, #tpu.memory_space<vmem>>
      %dma_wait3A_103 = tpu.memref_squeeze %dma_wait3A_102 : memref<1x128xi32, #tpu.memory_space<vmem>> -> memref<128xi32, #tpu.memory_space<vmem>>
      %dma_wait3A_104 = arith.constant 0 : i32
      %dma_wait3A_105 = arith.constant 0 : i32
      %dma_wait3A_106 = tpu.memref_slice %arg2[%dma_wait3A_104, %dma_wait3A_105] : memref<50000x32xf32, #tpu.memory_space<hbm>> -> memref<50000x32xf32, #tpu.memory_space<hbm>>
      tpu.wait_indirect_dma semaphore(%arg12 : memref<!tpu.dma_semaphore, #tpu.memory_space<semaphore_mem>>) src(%dma_wait3A_106 : memref<50000x32xf32, #tpu.memory_space<hbm>>) dst(%dma_wait3A_100 : memref<128x32xf32, #tpu.memory_space<vmem>>)
      %dma_wait3A_107 = arith.constant 3 : i32
      %dma_wait3A_108 = arith.constant 3 : i32
      %dma_wait3A_109 = arith.constant 0 : i32
      %dma_wait3A_110 = arith.constant 0 : i32
      %dma_wait3A_111 = tpu.memref_slice %arg10[%dma_wait3A_108, %dma_wait3A_109, %dma_wait3A_110] : memref<4x128x32xf32, #tpu.memory_space<vmem>> -> memref<1x128x32xf32, #tpu.memory_space<vmem>>
      %dma_wait3A_112 = tpu.memref_squeeze %dma_wait3A_111 : memref<1x128x32xf32, #tpu.memory_space<vmem>> -> memref<128x32xf32, #tpu.memory_space<vmem>>
      %dma_wait3A_113 = arith.constant 0 : i32
      %dma_wait3A_114 = tpu.memref_slice %arg8[%dma_wait3A_107, %dma_wait3A_113] : memref<4x128xi32, #tpu.memory_space<vmem>> -> memref<1x128xi32, #tpu.memory_space<vmem>>
      %dma_wait3A_115 = tpu.memref_squeeze %dma_wait3A_114 : memref<1x128xi32, #tpu.memory_space<vmem>> -> memref<128xi32, #tpu.memory_space<vmem>>
      %dma_wait3A_116 = arith.constant 0 : i32
      %dma_wait3A_117 = arith.constant 0 : i32
      %dma_wait3A_118 = tpu.memref_slice %arg2[%dma_wait3A_116, %dma_wait3A_117] : memref<50000x32xf32, #tpu.memory_space<hbm>> -> memref<50000x32xf32, #tpu.memory_space<hbm>>
      tpu.wait_indirect_dma semaphore(%arg12 : memref<!tpu.dma_semaphore, #tpu.memory_space<semaphore_mem>>) src(%dma_wait3A_118 : memref<50000x32xf32, #tpu.memory_space<hbm>>) dst(%dma_wait3A_112 : memref<128x32xf32, #tpu.memory_space<vmem>>)
      %dma_start3A_119 = arith.constant 0 : i32
      %dma_start3A_120 = arith.constant 0 : i32
      %dma_start3A_121 = arith.constant 0 : i32
      %dma_start3A_122 = arith.constant 0 : i32
      %dma_start3A_123 = tpu.memref_slice %arg10[%dma_start3A_119, %dma_start3A_121, %dma_start3A_122] : memref<4x128x32xf32, #tpu.memory_space<vmem>> -> memref<1x128x32xf32, #tpu.memory_space<vmem>>
      %dma_start3A_124 = tpu.memref_squeeze %dma_start3A_123 : memref<1x128x32xf32, #tpu.memory_space<vmem>> -> memref<128x32xf32, #tpu.memory_space<vmem>>
      %dma_start3A_125 = arith.constant 0 : i32
      %dma_start3A_126 = tpu.memref_slice %arg9[%dma_start3A_120, %dma_start3A_125] : memref<4x128xi32, #tpu.memory_space<vmem>> -> memref<1x128xi32, #tpu.memory_space<vmem>>
      %dma_start3A_127 = tpu.memref_squeeze %dma_start3A_126 : memref<1x128xi32, #tpu.memory_space<vmem>> -> memref<128xi32, #tpu.memory_space<vmem>>
      %dma_start3A_128 = arith.constant 0 : i32
      %dma_start3A_129 = arith.constant 0 : i32
      %dma_start3A_130 = tpu.memref_slice %arg7[%dma_start3A_128, %dma_start3A_129] : memref<50048x32xf32, #tpu.memory_space<vmem_shared>> -> memref<50048x32xf32, #tpu.memory_space<vmem_shared>>
      tpu.enqueue_indirect_dma source(%dma_start3A_124 : memref<128x32xf32, #tpu.memory_space<vmem>>) target(%dma_start3A_130 : memref<50048x32xf32, #tpu.memory_space<vmem_shared>>) offsets(%dma_start3A_127 : memref<128xi32, #tpu.memory_space<vmem>>) semaphore(%arg13 : memref<!tpu.dma_semaphore, #tpu.memory_space<semaphore_mem>>) {add = true}
      %dma_start3A_131 = arith.constant 1 : i32
      %dma_start3A_132 = arith.constant 1 : i32
      %dma_start3A_133 = arith.constant 0 : i32
      %dma_start3A_134 = arith.constant 0 : i32
      %dma_start3A_135 = tpu.memref_slice %arg10[%dma_start3A_131, %dma_start3A_133, %dma_start3A_134] : memref<4x128x32xf32, #tpu.memory_space<vmem>> -> memref<1x128x32xf32, #tpu.memory_space<vmem>>
      %dma_start3A_136 = tpu.memref_squeeze %dma_start3A_135 : memref<1x128x32xf32, #tpu.memory_space<vmem>> -> memref<128x32xf32, #tpu.memory_space<vmem>>
      %dma_start3A_137 = arith.constant 0 : i32
      %dma_start3A_138 = tpu.memref_slice %arg9[%dma_start3A_132, %dma_start3A_137] : memref<4x128xi32, #tpu.memory_space<vmem>> -> memref<1x128xi32, #tpu.memory_space<vmem>>
      %dma_start3A_139 = tpu.memref_squeeze %dma_start3A_138 : memref<1x128xi32, #tpu.memory_space<vmem>> -> memref<128xi32, #tpu.memory_space<vmem>>
      %dma_start3A_140 = arith.constant 0 : i32
      %dma_start3A_141 = arith.constant 0 : i32
      %dma_start3A_142 = tpu.memref_slice %arg7[%dma_start3A_140, %dma_start3A_141] : memref<50048x32xf32, #tpu.memory_space<vmem_shared>> -> memref<50048x32xf32, #tpu.memory_space<vmem_shared>>
      tpu.enqueue_indirect_dma source(%dma_start3A_136 : memref<128x32xf32, #tpu.memory_space<vmem>>) target(%dma_start3A_142 : memref<50048x32xf32, #tpu.memory_space<vmem_shared>>) offsets(%dma_start3A_139 : memref<128xi32, #tpu.memory_space<vmem>>) semaphore(%arg13 : memref<!tpu.dma_semaphore, #tpu.memory_space<semaphore_mem>>) {add = true}
      %dma_start3A_143 = arith.constant 2 : i32
      %dma_start3A_144 = arith.constant 2 : i32
      %dma_start3A_145 = arith.constant 0 : i32
      %dma_start3A_146 = arith.constant 0 : i32
      %dma_start3A_147 = tpu.memref_slice %arg10[%dma_start3A_143, %dma_start3A_145, %dma_start3A_146] : memref<4x128x32xf32, #tpu.memory_space<vmem>> -> memref<1x128x32xf32, #tpu.memory_space<vmem>>
      %dma_start3A_148 = tpu.memref_squeeze %dma_start3A_147 : memref<1x128x32xf32, #tpu.memory_space<vmem>> -> memref<128x32xf32, #tpu.memory_space<vmem>>
      %dma_start3A_149 = arith.constant 0 : i32
      %dma_start3A_150 = tpu.memref_slice %arg9[%dma_start3A_144, %dma_start3A_149] : memref<4x128xi32, #tpu.memory_space<vmem>> -> memref<1x128xi32, #tpu.memory_space<vmem>>
      %dma_start3A_151 = tpu.memref_squeeze %dma_start3A_150 : memref<1x128xi32, #tpu.memory_space<vmem>> -> memref<128xi32, #tpu.memory_space<vmem>>
      %dma_start3A_152 = arith.constant 0 : i32
      %dma_start3A_153 = arith.constant 0 : i32
      %dma_start3A_154 = tpu.memref_slice %arg7[%dma_start3A_152, %dma_start3A_153] : memref<50048x32xf32, #tpu.memory_space<vmem_shared>> -> memref<50048x32xf32, #tpu.memory_space<vmem_shared>>
      tpu.enqueue_indirect_dma source(%dma_start3A_148 : memref<128x32xf32, #tpu.memory_space<vmem>>) target(%dma_start3A_154 : memref<50048x32xf32, #tpu.memory_space<vmem_shared>>) offsets(%dma_start3A_151 : memref<128xi32, #tpu.memory_space<vmem>>) semaphore(%arg13 : memref<!tpu.dma_semaphore, #tpu.memory_space<semaphore_mem>>) {add = true}
      %dma_start3A_155 = arith.constant 3 : i32
      %dma_start3A_156 = arith.constant 3 : i32
      %dma_start3A_157 = arith.constant 0 : i32
      %dma_start3A_158 = arith.constant 0 : i32
      %dma_start3A_159 = tpu.memref_slice %arg10[%dma_start3A_155, %dma_start3A_157, %dma_start3A_158] : memref<4x128x32xf32, #tpu.memory_space<vmem>> -> memref<1x128x32xf32, #tpu.memory_space<vmem>>
      %dma_start3A_160 = tpu.memref_squeeze %dma_start3A_159 : memref<1x128x32xf32, #tpu.memory_space<vmem>> -> memref<128x32xf32, #tpu.memory_space<vmem>>
      %dma_start3A_161 = arith.constant 0 : i32
      %dma_start3A_162 = tpu.memref_slice %arg9[%dma_start3A_156, %dma_start3A_161] : memref<4x128xi32, #tpu.memory_space<vmem>> -> memref<1x128xi32, #tpu.memory_space<vmem>>
      %dma_start3A_163 = tpu.memref_squeeze %dma_start3A_162 : memref<1x128xi32, #tpu.memory_space<vmem>> -> memref<128xi32, #tpu.memory_space<vmem>>
      %dma_start3A_164 = arith.constant 0 : i32
      %dma_start3A_165 = arith.constant 0 : i32
      %dma_start3A_166 = tpu.memref_slice %arg7[%dma_start3A_164, %dma_start3A_165] : memref<50048x32xf32, #tpu.memory_space<vmem_shared>> -> memref<50048x32xf32, #tpu.memory_space<vmem_shared>>
      tpu.enqueue_indirect_dma source(%dma_start3A_160 : memref<128x32xf32, #tpu.memory_space<vmem>>) target(%dma_start3A_166 : memref<50048x32xf32, #tpu.memory_space<vmem_shared>>) offsets(%dma_start3A_163 : memref<128xi32, #tpu.memory_space<vmem>>) semaphore(%arg13 : memref<!tpu.dma_semaphore, #tpu.memory_space<semaphore_mem>>) {add = true}
      %dma_wait3A_167 = arith.constant 0 : i32
      %dma_wait3A_168 = arith.constant 0 : i32
      %dma_wait3A_169 = arith.constant 0 : i32
      %dma_wait3A_170 = arith.constant 0 : i32
      %dma_wait3A_171 = tpu.memref_slice %arg10[%dma_wait3A_167, %dma_wait3A_169, %dma_wait3A_170] : memref<4x128x32xf32, #tpu.memory_space<vmem>> -> memref<1x128x32xf32, #tpu.memory_space<vmem>>
      %dma_wait3A_172 = tpu.memref_squeeze %dma_wait3A_171 : memref<1x128x32xf32, #tpu.memory_space<vmem>> -> memref<128x32xf32, #tpu.memory_space<vmem>>
      %dma_wait3A_173 = arith.constant 0 : i32
      %dma_wait3A_174 = tpu.memref_slice %arg9[%dma_wait3A_168, %dma_wait3A_173] : memref<4x128xi32, #tpu.memory_space<vmem>> -> memref<1x128xi32, #tpu.memory_space<vmem>>
      %dma_wait3A_175 = tpu.memref_squeeze %dma_wait3A_174 : memref<1x128xi32, #tpu.memory_space<vmem>> -> memref<128xi32, #tpu.memory_space<vmem>>
      %dma_wait3A_176 = arith.constant 0 : i32
      %dma_wait3A_177 = arith.constant 0 : i32
      %dma_wait3A_178 = tpu.memref_slice %arg7[%dma_wait3A_176, %dma_wait3A_177] : memref<50048x32xf32, #tpu.memory_space<vmem_shared>> -> memref<50048x32xf32, #tpu.memory_space<vmem_shared>>
      tpu.wait_indirect_dma semaphore(%arg13 : memref<!tpu.dma_semaphore, #tpu.memory_space<semaphore_mem>>) src(%dma_wait3A_172 : memref<128x32xf32, #tpu.memory_space<vmem>>) dst(%dma_wait3A_178 : memref<50048x32xf32, #tpu.memory_space<vmem_shared>>)
      %dma_wait3A_179 = arith.constant 1 : i32
      %dma_wait3A_180 = arith.constant 1 : i32
      %dma_wait3A_181 = arith.constant 0 : i32
      %dma_wait3A_182 = arith.constant 0 : i32
      %dma_wait3A_183 = tpu.memref_slice %arg10[%dma_wait3A_179, %dma_wait3A_181, %dma_wait3A_182] : memref<4x128x32xf32, #tpu.memory_space<vmem>> -> memref<1x128x32xf32, #tpu.memory_space<vmem>>
      %dma_wait3A_184 = tpu.memref_squeeze %dma_wait3A_183 : memref<1x128x32xf32, #tpu.memory_space<vmem>> -> memref<128x32xf32, #tpu.memory_space<vmem>>
      %dma_wait3A_185 = arith.constant 0 : i32
      %dma_wait3A_186 = tpu.memref_slice %arg9[%dma_wait3A_180, %dma_wait3A_185] : memref<4x128xi32, #tpu.memory_space<vmem>> -> memref<1x128xi32, #tpu.memory_space<vmem>>
      %dma_wait3A_187 = tpu.memref_squeeze %dma_wait3A_186 : memref<1x128xi32, #tpu.memory_space<vmem>> -> memref<128xi32, #tpu.memory_space<vmem>>
      %dma_wait3A_188 = arith.constant 0 : i32
      %dma_wait3A_189 = arith.constant 0 : i32
      %dma_wait3A_190 = tpu.memref_slice %arg7[%dma_wait3A_188, %dma_wait3A_189] : memref<50048x32xf32, #tpu.memory_space<vmem_shared>> -> memref<50048x32xf32, #tpu.memory_space<vmem_shared>>
      tpu.wait_indirect_dma semaphore(%arg13 : memref<!tpu.dma_semaphore, #tpu.memory_space<semaphore_mem>>) src(%dma_wait3A_184 : memref<128x32xf32, #tpu.memory_space<vmem>>) dst(%dma_wait3A_190 : memref<50048x32xf32, #tpu.memory_space<vmem_shared>>)
      %dma_wait3A_191 = arith.constant 2 : i32
      %dma_wait3A_192 = arith.constant 2 : i32
      %dma_wait3A_193 = arith.constant 0 : i32
      %dma_wait3A_194 = arith.constant 0 : i32
      %dma_wait3A_195 = tpu.memref_slice %arg10[%dma_wait3A_191, %dma_wait3A_193, %dma_wait3A_194] : memref<4x128x32xf32, #tpu.memory_space<vmem>> -> memref<1x128x32xf32, #tpu.memory_space<vmem>>
      %dma_wait3A_196 = tpu.memref_squeeze %dma_wait3A_195 : memref<1x128x32xf32, #tpu.memory_space<vmem>> -> memref<128x32xf32, #tpu.memory_space<vmem>>
      %dma_wait3A_197 = arith.constant 0 : i32
      %dma_wait3A_198 = tpu.memref_slice %arg9[%dma_wait3A_192, %dma_wait3A_197] : memref<4x128xi32, #tpu.memory_space<vmem>> -> memref<1x128xi32, #tpu.memory_space<vmem>>
      %dma_wait3A_199 = tpu.memref_squeeze %dma_wait3A_198 : memref<1x128xi32, #tpu.memory_space<vmem>> -> memref<128xi32, #tpu.memory_space<vmem>>
      %dma_wait3A_200 = arith.constant 0 : i32
      %dma_wait3A_201 = arith.constant 0 : i32
      %dma_wait3A_202 = tpu.memref_slice %arg7[%dma_wait3A_200, %dma_wait3A_201] : memref<50048x32xf32, #tpu.memory_space<vmem_shared>> -> memref<50048x32xf32, #tpu.memory_space<vmem_shared>>
      tpu.wait_indirect_dma semaphore(%arg13 : memref<!tpu.dma_semaphore, #tpu.memory_space<semaphore_mem>>) src(%dma_wait3A_196 : memref<128x32xf32, #tpu.memory_space<vmem>>) dst(%dma_wait3A_202 : memref<50048x32xf32, #tpu.memory_space<vmem_shared>>)
      %dma_wait3A_203 = arith.constant 3 : i32
      %dma_wait3A_204 = arith.constant 3 : i32
      %dma_wait3A_205 = arith.constant 0 : i32
      %dma_wait3A_206 = arith.constant 0 : i32
      %dma_wait3A_207 = tpu.memref_slice %arg10[%dma_wait3A_203, %dma_wait3A_205, %dma_wait3A_206] : memref<4x128x32xf32, #tpu.memory_space<vmem>> -> memref<1x128x32xf32, #tpu.memory_space<vmem>>
      %dma_wait3A_208 = tpu.memref_squeeze %dma_wait3A_207 : memref<1x128x32xf32, #tpu.memory_space<vmem>> -> memref<128x32xf32, #tpu.memory_space<vmem>>
      %dma_wait3A_209 = arith.constant 0 : i32
      %dma_wait3A_210 = tpu.memref_slice %arg9[%dma_wait3A_204, %dma_wait3A_209] : memref<4x128xi32, #tpu.memory_space<vmem>> -> memref<1x128xi32, #tpu.memory_space<vmem>>
      %dma_wait3A_211 = tpu.memref_squeeze %dma_wait3A_210 : memref<1x128xi32, #tpu.memory_space<vmem>> -> memref<128xi32, #tpu.memory_space<vmem>>
      %dma_wait3A_212 = arith.constant 0 : i32
      %dma_wait3A_213 = arith.constant 0 : i32
      %dma_wait3A_214 = tpu.memref_slice %arg7[%dma_wait3A_212, %dma_wait3A_213] : memref<50048x32xf32, #tpu.memory_space<vmem_shared>> -> memref<50048x32xf32, #tpu.memory_space<vmem_shared>>
      tpu.wait_indirect_dma semaphore(%arg13 : memref<!tpu.dma_semaphore, #tpu.memory_space<semaphore_mem>>) src(%dma_wait3A_208 : memref<128x32xf32, #tpu.memory_space<vmem>>) dst(%dma_wait3A_214 : memref<50048x32xf32, #tpu.memory_space<vmem_shared>>)
    }
    %scan3A_9 = arith.constant 98 : i32
    %barrier3A_10 = arith.constant 0 : index
    tpu.barrier barrier_id(%barrier3A_10)
    %scan3A_11 = arith.constant 0 : i32
    %scan3A_12 = arith.constant 23 : i32
    %scan3A_13 = arith.addi %scan3A_11, %scan3A_12 : i32
    %scan3A_14 = arith.constant 1 : i32
    scf.for %scan3A_16 = %scan3A_11 to %scan3A_13 step %scan3A_14  : i32 {
      %mul3A_17 = arith.constant 1 : i32
      %mul3A_18 = arith.muli %scan3A_16, %mul3A_17 : i32
      %add3A = arith.constant 0 : i32
      %add3A_19 = arith.addi %add3A, %mul3A_18 : i32
      %mul3A_20 = arith.constant 136 : i32
      %mul3A_21 = arith.muli %add3A_19, %mul3A_20 : i32
      %add3A_22 = arith.addi %mul3A_0, %mul3A_21 : i32
      "tpu.region"() ({
        %run_scoped3A = tpu.sem_alloc : memref<!tpu.dma_semaphore, #tpu.memory_space<semaphore_mem>>
        %dma_start3A = arith.constant 0 : i32
        %dma_start3A_23 = tpu.memref_slice %arg7[%add3A_22, %dma_start3A] : memref<50048x32xf32, #tpu.memory_space<vmem_shared>> -> memref<136x32xf32, #tpu.memory_space<vmem_shared>>
        %dma_start3A_24 = arith.constant 0 : i32
        %dma_start3A_25 = tpu.memref_slice %arg7[%add3A_22, %dma_start3A_24] : memref<50048x32xf32, #tpu.memory_space<vmem_shared>> -> memref<136x32xf32, #tpu.memory_space<vmem_shared>>
        tpu.enqueue_dma source(%dma_start3A_25 : memref<136x32xf32, #tpu.memory_space<vmem_shared>>) target(%arg11 : memref<136x32xf32, #tpu.memory_space<vmem>>) target_semaphore(%run_scoped3A : memref<!tpu.dma_semaphore, #tpu.memory_space<semaphore_mem>>)
        %dma_wait3A = arith.constant 0 : i32
        %dma_wait3A_26 = tpu.memref_slice %arg7[%add3A_22, %dma_wait3A] : memref<50048x32xf32, #tpu.memory_space<vmem_shared>> -> memref<136x32xf32, #tpu.memory_space<vmem_shared>>
        %dma_wait3A_27 = arith.constant 0 : i32
        %dma_wait3A_28 = tpu.memref_slice %arg7[%add3A_22, %dma_wait3A_27] : memref<50048x32xf32, #tpu.memory_space<vmem_shared>> -> memref<136x32xf32, #tpu.memory_space<vmem_shared>>
        tpu.wait_dma2 semaphore(%run_scoped3A : memref<!tpu.dma_semaphore, #tpu.memory_space<semaphore_mem>>) src(%dma_wait3A_28 : memref<136x32xf32, #tpu.memory_space<vmem_shared>>) dst(%arg11 : memref<136x32xf32, #tpu.memory_space<vmem>>)
        tpu.yield
      }) : () -> ()
      "tpu.region"() ({
        %run_scoped3A = tpu.sem_alloc : memref<!tpu.dma_semaphore, #tpu.memory_space<semaphore_mem>>
        %dma_start3A = arith.constant 0 : i32
        %dma_start3A_23 = tpu.memref_slice %arg6[%arg0, %add3A_22, %dma_start3A] : memref<2x50048x32xf32, #tpu.memory_space<hbm>> -> memref<1x136x32xf32, #tpu.memory_space<hbm>>
        %dma_start3A_24 = tpu.memref_squeeze %dma_start3A_23 : memref<1x136x32xf32, #tpu.memory_space<hbm>> -> memref<136x32xf32, #tpu.memory_space<hbm>>
        %dma_start3A_25 = arith.constant 0 : i32
        %dma_start3A_26 = tpu.memref_slice %arg6[%arg0, %add3A_22, %dma_start3A_25] : memref<2x50048x32xf32, #tpu.memory_space<hbm>> -> memref<1x136x32xf32, #tpu.memory_space<hbm>>
        %dma_start3A_27 = tpu.memref_squeeze %dma_start3A_26 : memref<1x136x32xf32, #tpu.memory_space<hbm>> -> memref<136x32xf32, #tpu.memory_space<hbm>>
        tpu.enqueue_dma source(%arg11 : memref<136x32xf32, #tpu.memory_space<vmem>>) target(%dma_start3A_27 : memref<136x32xf32, #tpu.memory_space<hbm>>) target_semaphore(%run_scoped3A : memref<!tpu.dma_semaphore, #tpu.memory_space<semaphore_mem>>)
        %dma_wait3A = arith.constant 0 : i32
        %dma_wait3A_28 = tpu.memref_slice %arg6[%arg0, %add3A_22, %dma_wait3A] : memref<2x50048x32xf32, #tpu.memory_space<hbm>> -> memref<1x136x32xf32, #tpu.memory_space<hbm>>
        %dma_wait3A_29 = tpu.memref_squeeze %dma_wait3A_28 : memref<1x136x32xf32, #tpu.memory_space<hbm>> -> memref<136x32xf32, #tpu.memory_space<hbm>>
        %dma_wait3A_30 = arith.constant 0 : i32
        %dma_wait3A_31 = tpu.memref_slice %arg6[%arg0, %add3A_22, %dma_wait3A_30] : memref<2x50048x32xf32, #tpu.memory_space<hbm>> -> memref<1x136x32xf32, #tpu.memory_space<hbm>>
        %dma_wait3A_32 = tpu.memref_squeeze %dma_wait3A_31 : memref<1x136x32xf32, #tpu.memory_space<hbm>> -> memref<136x32xf32, #tpu.memory_space<hbm>>
        tpu.wait_dma2 semaphore(%run_scoped3A : memref<!tpu.dma_semaphore, #tpu.memory_space<semaphore_mem>>) src(%arg11 : memref<136x32xf32, #tpu.memory_space<vmem>>) dst(%dma_wait3A_32 : memref<136x32xf32, #tpu.memory_space<hbm>>)
        tpu.yield
      }) : () -> ()
    }
    %scan3A_15 = arith.constant 23 : i32
    return
  }
}

#map = affine_map<(d0, d1) -> (0, 0)>
#map1 = affine_map<(d0, d1) -> (0, 0, 0)>
module attributes {stable_mosaic.version = 14 : i64} {
  func.func @_seg_body(%arg0: i32, %arg1: i32, %arg2: memref<50048x32xf32, #tpu.memory_space<hbm>>, %arg3: memref<2x6272x128xi32, #tpu.memory_space<hbm>>, %arg4: memref<2x6272x128xi32, #tpu.memory_space<hbm>>, %arg5: memref<136x32xf32, #tpu.memory_space<hbm>>, %arg6: memref<2x50048x32xf32, #tpu.memory_space<hbm>>, %arg7: memref<50048x32xf32, #tpu.memory_space<vmem_shared>>, %arg8: memref<4x128xi32, #tpu.memory_space<vmem>>, %arg9: memref<4x128xi32, #tpu.memory_space<vmem>>, %arg10: memref<4x128x32xf32, #tpu.memory_space<vmem>>, %arg11: memref<136x32xf32, #tpu.memory_space<vmem>>, %arg12: memref<!tpu.dma_semaphore, #tpu.memory_space<semaphore_mem>>, %arg13: memref<!tpu.dma_semaphore, #tpu.memory_space<semaphore_mem>>) attributes {dimension_semantics = [#tpu.dimension_semantics<core_parallel>, #tpu.dimension_semantics<subcore_parallel>], iteration_bounds = array<i64: 2, 16>, scalar_prefetch = 0 : i64, scratch_operands = 7 : i64, tpu.core_type = #tpu.core_type<sc_vector_subcore>, window_params = [{transform_indices = #map}, {transform_indices = #map1}, {transform_indices = #map1}, {transform_indices = #map}, {transform_indices = #map1}]} {
    %mul3A = arith.constant 3128 : i32
    %mul3A_0 = arith.muli %arg1, %mul3A : i32
    "tpu.region"() ({
      %run_scoped3A = tpu.sem_alloc : memref<!tpu.dma_semaphore, #tpu.memory_space<semaphore_mem>>
      tpu.enqueue_dma source(%arg5 : memref<136x32xf32, #tpu.memory_space<hbm>>) target(%arg11 : memref<136x32xf32, #tpu.memory_space<vmem>>) target_semaphore(%run_scoped3A : memref<!tpu.dma_semaphore, #tpu.memory_space<semaphore_mem>>)
      tpu.wait_dma2 semaphore(%run_scoped3A : memref<!tpu.dma_semaphore, #tpu.memory_space<semaphore_mem>>) src(%arg5 : memref<136x32xf32, #tpu.memory_space<hbm>>) dst(%arg11 : memref<136x32xf32, #tpu.memory_space<vmem>>)
      tpu.yield
    }) : () -> ()
    %scan3A = arith.constant 0 : i32
    %scan3A_1 = arith.constant 23 : i32
    %scan3A_2 = arith.addi %scan3A, %scan3A_1 : i32
    %scan3A_3 = arith.constant 1 : i32
    scf.for %scan3A_16 = %scan3A to %scan3A_2 step %scan3A_3  : i32 {
      %mul3A_17 = arith.constant 1 : i32
      %mul3A_18 = arith.muli %scan3A_16, %mul3A_17 : i32
      %add3A = arith.constant 0 : i32
      %add3A_19 = arith.addi %add3A, %mul3A_18 : i32
      %mul3A_20 = arith.constant 136 : i32
      %mul3A_21 = arith.muli %add3A_19, %mul3A_20 : i32
      %add3A_22 = arith.addi %mul3A_0, %mul3A_21 : i32
      "tpu.region"() ({
        %run_scoped3A = tpu.sem_alloc : memref<!tpu.dma_semaphore, #tpu.memory_space<semaphore_mem>>
        %dma_start3A = arith.constant 0 : i32
        %dma_start3A_23 = tpu.memref_slice %arg7[%add3A_22, %dma_start3A] : memref<50048x32xf32, #tpu.memory_space<vmem_shared>> -> memref<136x32xf32, #tpu.memory_space<vmem_shared>>
        %dma_start3A_24 = arith.constant 0 : i32
        %dma_start3A_25 = tpu.memref_slice %arg7[%add3A_22, %dma_start3A_24] : memref<50048x32xf32, #tpu.memory_space<vmem_shared>> -> memref<136x32xf32, #tpu.memory_space<vmem_shared>>
        tpu.enqueue_dma source(%arg11 : memref<136x32xf32, #tpu.memory_space<vmem>>) target(%dma_start3A_25 : memref<136x32xf32, #tpu.memory_space<vmem_shared>>) target_semaphore(%run_scoped3A : memref<!tpu.dma_semaphore, #tpu.memory_space<semaphore_mem>>)
        %dma_wait3A = arith.constant 0 : i32
        %dma_wait3A_26 = tpu.memref_slice %arg7[%add3A_22, %dma_wait3A] : memref<50048x32xf32, #tpu.memory_space<vmem_shared>> -> memref<136x32xf32, #tpu.memory_space<vmem_shared>>
        %dma_wait3A_27 = arith.constant 0 : i32
        %dma_wait3A_28 = tpu.memref_slice %arg7[%add3A_22, %dma_wait3A_27] : memref<50048x32xf32, #tpu.memory_space<vmem_shared>> -> memref<136x32xf32, #tpu.memory_space<vmem_shared>>
        tpu.wait_dma2 semaphore(%run_scoped3A : memref<!tpu.dma_semaphore, #tpu.memory_space<semaphore_mem>>) src(%arg11 : memref<136x32xf32, #tpu.memory_space<vmem>>) dst(%dma_wait3A_28 : memref<136x32xf32, #tpu.memory_space<vmem_shared>>)
        tpu.yield
      }) : () -> ()
    }
    %scan3A_4 = arith.constant 23 : i32
    %barrier3A = arith.constant 0 : index
    tpu.barrier barrier_id(%barrier3A)
    %scan3A_5 = arith.constant 0 : i32
    %scan3A_6 = arith.constant 98 : i32
    %scan3A_7 = arith.addi %scan3A_5, %scan3A_6 : i32
    %scan3A_8 = arith.constant 1 : i32
    scf.for %scan3A_16 = %scan3A_5 to %scan3A_7 step %scan3A_8  : i32 {
      %mul3A_17 = arith.constant 1 : i32
      %mul3A_18 = arith.muli %scan3A_16, %mul3A_17 : i32
      %add3A = arith.constant 0 : i32
      %add3A_19 = arith.addi %add3A, %mul3A_18 : i32
      %mul3A_20 = arith.constant 392 : i32
      %mul3A_21 = arith.muli %arg1, %mul3A_20 : i32
      %mul3A_22 = arith.constant 4 : i32
      %mul3A_23 = arith.muli %add3A_19, %mul3A_22 : i32
      %add3A_24 = arith.addi %mul3A_21, %mul3A_23 : i32
      "tpu.region"() ({
        %run_scoped3A = tpu.sem_alloc : memref<!tpu.dma_semaphore, #tpu.memory_space<semaphore_mem>>
        %dma_start3A_215 = arith.constant 0 : i32
        %dma_start3A_216 = tpu.memref_slice %arg3[%arg0, %add3A_24, %dma_start3A_215] : memref<2x6272x128xi32, #tpu.memory_space<hbm>> -> memref<1x4x128xi32, #tpu.memory_space<hbm>>
        %dma_start3A_217 = tpu.memref_squeeze %dma_start3A_216 : memref<1x4x128xi32, #tpu.memory_space<hbm>> -> memref<4x128xi32, #tpu.memory_space<hbm>>
        %dma_start3A_218 = arith.constant 0 : i32
        %dma_start3A_219 = tpu.memref_slice %arg3[%arg0, %add3A_24, %dma_start3A_218] : memref<2x6272x128xi32, #tpu.memory_space<hbm>> -> memref<1x4x128xi32, #tpu.memory_space<hbm>>
        %dma_start3A_220 = tpu.memref_squeeze %dma_start3A_219 : memref<1x4x128xi32, #tpu.memory_space<hbm>> -> memref<4x128xi32, #tpu.memory_space<hbm>>
        tpu.enqueue_dma source(%dma_start3A_220 : memref<4x128xi32, #tpu.memory_space<hbm>>) target(%arg8 : memref<4x128xi32, #tpu.memory_space<vmem>>) target_semaphore(%run_scoped3A : memref<!tpu.dma_semaphore, #tpu.memory_space<semaphore_mem>>)
        %dma_wait3A_221 = arith.constant 0 : i32
        %dma_wait3A_222 = tpu.memref_slice %arg3[%arg0, %add3A_24, %dma_wait3A_221] : memref<2x6272x128xi32, #tpu.memory_space<hbm>> -> memref<1x4x128xi32, #tpu.memory_space<hbm>>
        %dma_wait3A_223 = tpu.memref_squeeze %dma_wait3A_222 : memref<1x4x128xi32, #tpu.memory_space<hbm>> -> memref<4x128xi32, #tpu.memory_space<hbm>>
        %dma_wait3A_224 = arith.constant 0 : i32
        %dma_wait3A_225 = tpu.memref_slice %arg3[%arg0, %add3A_24, %dma_wait3A_224] : memref<2x6272x128xi32, #tpu.memory_space<hbm>> -> memref<1x4x128xi32, #tpu.memory_space<hbm>>
        %dma_wait3A_226 = tpu.memref_squeeze %dma_wait3A_225 : memref<1x4x128xi32, #tpu.memory_space<hbm>> -> memref<4x128xi32, #tpu.memory_space<hbm>>
        tpu.wait_dma2 semaphore(%run_scoped3A : memref<!tpu.dma_semaphore, #tpu.memory_space<semaphore_mem>>) src(%dma_wait3A_226 : memref<4x128xi32, #tpu.memory_space<hbm>>) dst(%arg8 : memref<4x128xi32, #tpu.memory_space<vmem>>)
        tpu.yield
      }) : () -> ()
      "tpu.region"() ({
        %run_scoped3A = tpu.sem_alloc : memref<!tpu.dma_semaphore, #tpu.memory_space<semaphore_mem>>
        %dma_start3A_215 = arith.constant 0 : i32
        %dma_start3A_216 = tpu.memref_slice %arg4[%arg0, %add3A_24, %dma_start3A_215] : memref<2x6272x128xi32, #tpu.memory_space<hbm>> -> memref<1x4x128xi32, #tpu.memory_space<hbm>>
        %dma_start3A_217 = tpu.memref_squeeze %dma_start3A_216 : memref<1x4x128xi32, #tpu.memory_space<hbm>> -> memref<4x128xi32, #tpu.memory_space<hbm>>
        %dma_start3A_218 = arith.constant 0 : i32
        %dma_start3A_219 = tpu.memref_slice %arg4[%arg0, %add3A_24, %dma_start3A_218] : memref<2x6272x128xi32, #tpu.memory_space<hbm>> -> memref<1x4x128xi32, #tpu.memory_space<hbm>>
        %dma_start3A_220 = tpu.memref_squeeze %dma_start3A_219 : memref<1x4x128xi32, #tpu.memory_space<hbm>> -> memref<4x128xi32, #tpu.memory_space<hbm>>
        tpu.enqueue_dma source(%dma_start3A_220 : memref<4x128xi32, #tpu.memory_space<hbm>>) target(%arg9 : memref<4x128xi32, #tpu.memory_space<vmem>>) target_semaphore(%run_scoped3A : memref<!tpu.dma_semaphore, #tpu.memory_space<semaphore_mem>>)
        %dma_wait3A_221 = arith.constant 0 : i32
        %dma_wait3A_222 = tpu.memref_slice %arg4[%arg0, %add3A_24, %dma_wait3A_221] : memref<2x6272x128xi32, #tpu.memory_space<hbm>> -> memref<1x4x128xi32, #tpu.memory_space<hbm>>
        %dma_wait3A_223 = tpu.memref_squeeze %dma_wait3A_222 : memref<1x4x128xi32, #tpu.memory_space<hbm>> -> memref<4x128xi32, #tpu.memory_space<hbm>>
        %dma_wait3A_224 = arith.constant 0 : i32
        %dma_wait3A_225 = tpu.memref_slice %arg4[%arg0, %add3A_24, %dma_wait3A_224] : memref<2x6272x128xi32, #tpu.memory_space<hbm>> -> memref<1x4x128xi32, #tpu.memory_space<hbm>>
        %dma_wait3A_226 = tpu.memref_squeeze %dma_wait3A_225 : memref<1x4x128xi32, #tpu.memory_space<hbm>> -> memref<4x128xi32, #tpu.memory_space<hbm>>
        tpu.wait_dma2 semaphore(%run_scoped3A : memref<!tpu.dma_semaphore, #tpu.memory_space<semaphore_mem>>) src(%dma_wait3A_226 : memref<4x128xi32, #tpu.memory_space<hbm>>) dst(%arg9 : memref<4x128xi32, #tpu.memory_space<vmem>>)
        tpu.yield
      }) : () -> ()
      %dma_start3A = arith.constant 0 : i32
      %dma_start3A_25 = arith.constant 0 : i32
      %dma_start3A_26 = arith.constant 0 : i32
      %dma_start3A_27 = arith.constant 0 : i32
      %dma_start3A_28 = tpu.memref_slice %arg10[%dma_start3A_25, %dma_start3A_26, %dma_start3A_27] : memref<4x128x32xf32, #tpu.memory_space<vmem>> -> memref<1x128x32xf32, #tpu.memory_space<vmem>>
      %dma_start3A_29 = tpu.memref_squeeze %dma_start3A_28 : memref<1x128x32xf32, #tpu.memory_space<vmem>> -> memref<128x32xf32, #tpu.memory_space<vmem>>
      %dma_start3A_30 = arith.constant 0 : i32
      %dma_start3A_31 = tpu.memref_slice %arg8[%dma_start3A, %dma_start3A_30] : memref<4x128xi32, #tpu.memory_space<vmem>> -> memref<1x128xi32, #tpu.memory_space<vmem>>
      %dma_start3A_32 = tpu.memref_squeeze %dma_start3A_31 : memref<1x128xi32, #tpu.memory_space<vmem>> -> memref<128xi32, #tpu.memory_space<vmem>>
      %dma_start3A_33 = arith.constant 0 : i32
      %dma_start3A_34 = arith.constant 0 : i32
      %dma_start3A_35 = tpu.memref_slice %arg2[%dma_start3A_33, %dma_start3A_34] : memref<50048x32xf32, #tpu.memory_space<hbm>> -> memref<50048x32xf32, #tpu.memory_space<hbm>>
      tpu.enqueue_indirect_dma source(%dma_start3A_35 : memref<50048x32xf32, #tpu.memory_space<hbm>>) target(%dma_start3A_29 : memref<128x32xf32, #tpu.memory_space<vmem>>) offsets(%dma_start3A_32 : memref<128xi32, #tpu.memory_space<vmem>>) semaphore(%arg12 : memref<!tpu.dma_semaphore, #tpu.memory_space<semaphore_mem>>)
      %dma_start3A_36 = arith.constant 1 : i32
      %dma_start3A_37 = arith.constant 1 : i32
      %dma_start3A_38 = arith.constant 0 : i32
      %dma_start3A_39 = arith.constant 0 : i32
      %dma_start3A_40 = tpu.memref_slice %arg10[%dma_start3A_37, %dma_start3A_38, %dma_start3A_39] : memref<4x128x32xf32, #tpu.memory_space<vmem>> -> memref<1x128x32xf32, #tpu.memory_space<vmem>>
      %dma_start3A_41 = tpu.memref_squeeze %dma_start3A_40 : memref<1x128x32xf32, #tpu.memory_space<vmem>> -> memref<128x32xf32, #tpu.memory_space<vmem>>
      %dma_start3A_42 = arith.constant 0 : i32
      %dma_start3A_43 = tpu.memref_slice %arg8[%dma_start3A_36, %dma_start3A_42] : memref<4x128xi32, #tpu.memory_space<vmem>> -> memref<1x128xi32, #tpu.memory_space<vmem>>
      %dma_start3A_44 = tpu.memref_squeeze %dma_start3A_43 : memref<1x128xi32, #tpu.memory_space<vmem>> -> memref<128xi32, #tpu.memory_space<vmem>>
      %dma_start3A_45 = arith.constant 0 : i32
      %dma_start3A_46 = arith.constant 0 : i32
      %dma_start3A_47 = tpu.memref_slice %arg2[%dma_start3A_45, %dma_start3A_46] : memref<50048x32xf32, #tpu.memory_space<hbm>> -> memref<50048x32xf32, #tpu.memory_space<hbm>>
      tpu.enqueue_indirect_dma source(%dma_start3A_47 : memref<50048x32xf32, #tpu.memory_space<hbm>>) target(%dma_start3A_41 : memref<128x32xf32, #tpu.memory_space<vmem>>) offsets(%dma_start3A_44 : memref<128xi32, #tpu.memory_space<vmem>>) semaphore(%arg12 : memref<!tpu.dma_semaphore, #tpu.memory_space<semaphore_mem>>)
      %dma_start3A_48 = arith.constant 2 : i32
      %dma_start3A_49 = arith.constant 2 : i32
      %dma_start3A_50 = arith.constant 0 : i32
      %dma_start3A_51 = arith.constant 0 : i32
      %dma_start3A_52 = tpu.memref_slice %arg10[%dma_start3A_49, %dma_start3A_50, %dma_start3A_51] : memref<4x128x32xf32, #tpu.memory_space<vmem>> -> memref<1x128x32xf32, #tpu.memory_space<vmem>>
      %dma_start3A_53 = tpu.memref_squeeze %dma_start3A_52 : memref<1x128x32xf32, #tpu.memory_space<vmem>> -> memref<128x32xf32, #tpu.memory_space<vmem>>
      %dma_start3A_54 = arith.constant 0 : i32
      %dma_start3A_55 = tpu.memref_slice %arg8[%dma_start3A_48, %dma_start3A_54] : memref<4x128xi32, #tpu.memory_space<vmem>> -> memref<1x128xi32, #tpu.memory_space<vmem>>
      %dma_start3A_56 = tpu.memref_squeeze %dma_start3A_55 : memref<1x128xi32, #tpu.memory_space<vmem>> -> memref<128xi32, #tpu.memory_space<vmem>>
      %dma_start3A_57 = arith.constant 0 : i32
      %dma_start3A_58 = arith.constant 0 : i32
      %dma_start3A_59 = tpu.memref_slice %arg2[%dma_start3A_57, %dma_start3A_58] : memref<50048x32xf32, #tpu.memory_space<hbm>> -> memref<50048x32xf32, #tpu.memory_space<hbm>>
      tpu.enqueue_indirect_dma source(%dma_start3A_59 : memref<50048x32xf32, #tpu.memory_space<hbm>>) target(%dma_start3A_53 : memref<128x32xf32, #tpu.memory_space<vmem>>) offsets(%dma_start3A_56 : memref<128xi32, #tpu.memory_space<vmem>>) semaphore(%arg12 : memref<!tpu.dma_semaphore, #tpu.memory_space<semaphore_mem>>)
      %dma_start3A_60 = arith.constant 3 : i32
      %dma_start3A_61 = arith.constant 3 : i32
      %dma_start3A_62 = arith.constant 0 : i32
      %dma_start3A_63 = arith.constant 0 : i32
      %dma_start3A_64 = tpu.memref_slice %arg10[%dma_start3A_61, %dma_start3A_62, %dma_start3A_63] : memref<4x128x32xf32, #tpu.memory_space<vmem>> -> memref<1x128x32xf32, #tpu.memory_space<vmem>>
      %dma_start3A_65 = tpu.memref_squeeze %dma_start3A_64 : memref<1x128x32xf32, #tpu.memory_space<vmem>> -> memref<128x32xf32, #tpu.memory_space<vmem>>
      %dma_start3A_66 = arith.constant 0 : i32
      %dma_start3A_67 = tpu.memref_slice %arg8[%dma_start3A_60, %dma_start3A_66] : memref<4x128xi32, #tpu.memory_space<vmem>> -> memref<1x128xi32, #tpu.memory_space<vmem>>
      %dma_start3A_68 = tpu.memref_squeeze %dma_start3A_67 : memref<1x128xi32, #tpu.memory_space<vmem>> -> memref<128xi32, #tpu.memory_space<vmem>>
      %dma_start3A_69 = arith.constant 0 : i32
      %dma_start3A_70 = arith.constant 0 : i32
      %dma_start3A_71 = tpu.memref_slice %arg2[%dma_start3A_69, %dma_start3A_70] : memref<50048x32xf32, #tpu.memory_space<hbm>> -> memref<50048x32xf32, #tpu.memory_space<hbm>>
      tpu.enqueue_indirect_dma source(%dma_start3A_71 : memref<50048x32xf32, #tpu.memory_space<hbm>>) target(%dma_start3A_65 : memref<128x32xf32, #tpu.memory_space<vmem>>) offsets(%dma_start3A_68 : memref<128xi32, #tpu.memory_space<vmem>>) semaphore(%arg12 : memref<!tpu.dma_semaphore, #tpu.memory_space<semaphore_mem>>)
      %dma_wait3A = arith.constant 0 : i32
      %dma_wait3A_72 = arith.constant 0 : i32
      %dma_wait3A_73 = arith.constant 0 : i32
      %dma_wait3A_74 = arith.constant 0 : i32
      %dma_wait3A_75 = tpu.memref_slice %arg10[%dma_wait3A_72, %dma_wait3A_73, %dma_wait3A_74] : memref<4x128x32xf32, #tpu.memory_space<vmem>> -> memref<1x128x32xf32, #tpu.memory_space<vmem>>
      %dma_wait3A_76 = tpu.memref_squeeze %dma_wait3A_75 : memref<1x128x32xf32, #tpu.memory_space<vmem>> -> memref<128x32xf32, #tpu.memory_space<vmem>>
      %dma_wait3A_77 = arith.constant 0 : i32
      %dma_wait3A_78 = tpu.memref_slice %arg8[%dma_wait3A, %dma_wait3A_77] : memref<4x128xi32, #tpu.memory_space<vmem>> -> memref<1x128xi32, #tpu.memory_space<vmem>>
      %dma_wait3A_79 = tpu.memref_squeeze %dma_wait3A_78 : memref<1x128xi32, #tpu.memory_space<vmem>> -> memref<128xi32, #tpu.memory_space<vmem>>
      %dma_wait3A_80 = arith.constant 0 : i32
      %dma_wait3A_81 = arith.constant 0 : i32
      %dma_wait3A_82 = tpu.memref_slice %arg2[%dma_wait3A_80, %dma_wait3A_81] : memref<50048x32xf32, #tpu.memory_space<hbm>> -> memref<50048x32xf32, #tpu.memory_space<hbm>>
      tpu.wait_indirect_dma semaphore(%arg12 : memref<!tpu.dma_semaphore, #tpu.memory_space<semaphore_mem>>) src(%dma_wait3A_82 : memref<50048x32xf32, #tpu.memory_space<hbm>>) dst(%dma_wait3A_76 : memref<128x32xf32, #tpu.memory_space<vmem>>)
      %dma_wait3A_83 = arith.constant 1 : i32
      %dma_wait3A_84 = arith.constant 1 : i32
      %dma_wait3A_85 = arith.constant 0 : i32
      %dma_wait3A_86 = arith.constant 0 : i32
      %dma_wait3A_87 = tpu.memref_slice %arg10[%dma_wait3A_84, %dma_wait3A_85, %dma_wait3A_86] : memref<4x128x32xf32, #tpu.memory_space<vmem>> -> memref<1x128x32xf32, #tpu.memory_space<vmem>>
      %dma_wait3A_88 = tpu.memref_squeeze %dma_wait3A_87 : memref<1x128x32xf32, #tpu.memory_space<vmem>> -> memref<128x32xf32, #tpu.memory_space<vmem>>
      %dma_wait3A_89 = arith.constant 0 : i32
      %dma_wait3A_90 = tpu.memref_slice %arg8[%dma_wait3A_83, %dma_wait3A_89] : memref<4x128xi32, #tpu.memory_space<vmem>> -> memref<1x128xi32, #tpu.memory_space<vmem>>
      %dma_wait3A_91 = tpu.memref_squeeze %dma_wait3A_90 : memref<1x128xi32, #tpu.memory_space<vmem>> -> memref<128xi32, #tpu.memory_space<vmem>>
      %dma_wait3A_92 = arith.constant 0 : i32
      %dma_wait3A_93 = arith.constant 0 : i32
      %dma_wait3A_94 = tpu.memref_slice %arg2[%dma_wait3A_92, %dma_wait3A_93] : memref<50048x32xf32, #tpu.memory_space<hbm>> -> memref<50048x32xf32, #tpu.memory_space<hbm>>
      tpu.wait_indirect_dma semaphore(%arg12 : memref<!tpu.dma_semaphore, #tpu.memory_space<semaphore_mem>>) src(%dma_wait3A_94 : memref<50048x32xf32, #tpu.memory_space<hbm>>) dst(%dma_wait3A_88 : memref<128x32xf32, #tpu.memory_space<vmem>>)
      %dma_wait3A_95 = arith.constant 2 : i32
      %dma_wait3A_96 = arith.constant 2 : i32
      %dma_wait3A_97 = arith.constant 0 : i32
      %dma_wait3A_98 = arith.constant 0 : i32
      %dma_wait3A_99 = tpu.memref_slice %arg10[%dma_wait3A_96, %dma_wait3A_97, %dma_wait3A_98] : memref<4x128x32xf32, #tpu.memory_space<vmem>> -> memref<1x128x32xf32, #tpu.memory_space<vmem>>
      %dma_wait3A_100 = tpu.memref_squeeze %dma_wait3A_99 : memref<1x128x32xf32, #tpu.memory_space<vmem>> -> memref<128x32xf32, #tpu.memory_space<vmem>>
      %dma_wait3A_101 = arith.constant 0 : i32
      %dma_wait3A_102 = tpu.memref_slice %arg8[%dma_wait3A_95, %dma_wait3A_101] : memref<4x128xi32, #tpu.memory_space<vmem>> -> memref<1x128xi32, #tpu.memory_space<vmem>>
      %dma_wait3A_103 = tpu.memref_squeeze %dma_wait3A_102 : memref<1x128xi32, #tpu.memory_space<vmem>> -> memref<128xi32, #tpu.memory_space<vmem>>
      %dma_wait3A_104 = arith.constant 0 : i32
      %dma_wait3A_105 = arith.constant 0 : i32
      %dma_wait3A_106 = tpu.memref_slice %arg2[%dma_wait3A_104, %dma_wait3A_105] : memref<50048x32xf32, #tpu.memory_space<hbm>> -> memref<50048x32xf32, #tpu.memory_space<hbm>>
      tpu.wait_indirect_dma semaphore(%arg12 : memref<!tpu.dma_semaphore, #tpu.memory_space<semaphore_mem>>) src(%dma_wait3A_106 : memref<50048x32xf32, #tpu.memory_space<hbm>>) dst(%dma_wait3A_100 : memref<128x32xf32, #tpu.memory_space<vmem>>)
      %dma_wait3A_107 = arith.constant 3 : i32
      %dma_wait3A_108 = arith.constant 3 : i32
      %dma_wait3A_109 = arith.constant 0 : i32
      %dma_wait3A_110 = arith.constant 0 : i32
      %dma_wait3A_111 = tpu.memref_slice %arg10[%dma_wait3A_108, %dma_wait3A_109, %dma_wait3A_110] : memref<4x128x32xf32, #tpu.memory_space<vmem>> -> memref<1x128x32xf32, #tpu.memory_space<vmem>>
      %dma_wait3A_112 = tpu.memref_squeeze %dma_wait3A_111 : memref<1x128x32xf32, #tpu.memory_space<vmem>> -> memref<128x32xf32, #tpu.memory_space<vmem>>
      %dma_wait3A_113 = arith.constant 0 : i32
      %dma_wait3A_114 = tpu.memref_slice %arg8[%dma_wait3A_107, %dma_wait3A_113] : memref<4x128xi32, #tpu.memory_space<vmem>> -> memref<1x128xi32, #tpu.memory_space<vmem>>
      %dma_wait3A_115 = tpu.memref_squeeze %dma_wait3A_114 : memref<1x128xi32, #tpu.memory_space<vmem>> -> memref<128xi32, #tpu.memory_space<vmem>>
      %dma_wait3A_116 = arith.constant 0 : i32
      %dma_wait3A_117 = arith.constant 0 : i32
      %dma_wait3A_118 = tpu.memref_slice %arg2[%dma_wait3A_116, %dma_wait3A_117] : memref<50048x32xf32, #tpu.memory_space<hbm>> -> memref<50048x32xf32, #tpu.memory_space<hbm>>
      tpu.wait_indirect_dma semaphore(%arg12 : memref<!tpu.dma_semaphore, #tpu.memory_space<semaphore_mem>>) src(%dma_wait3A_118 : memref<50048x32xf32, #tpu.memory_space<hbm>>) dst(%dma_wait3A_112 : memref<128x32xf32, #tpu.memory_space<vmem>>)
      %dma_start3A_119 = arith.constant 0 : i32
      %dma_start3A_120 = arith.constant 0 : i32
      %dma_start3A_121 = arith.constant 0 : i32
      %dma_start3A_122 = arith.constant 0 : i32
      %dma_start3A_123 = tpu.memref_slice %arg10[%dma_start3A_119, %dma_start3A_121, %dma_start3A_122] : memref<4x128x32xf32, #tpu.memory_space<vmem>> -> memref<1x128x32xf32, #tpu.memory_space<vmem>>
      %dma_start3A_124 = tpu.memref_squeeze %dma_start3A_123 : memref<1x128x32xf32, #tpu.memory_space<vmem>> -> memref<128x32xf32, #tpu.memory_space<vmem>>
      %dma_start3A_125 = arith.constant 0 : i32
      %dma_start3A_126 = tpu.memref_slice %arg9[%dma_start3A_120, %dma_start3A_125] : memref<4x128xi32, #tpu.memory_space<vmem>> -> memref<1x128xi32, #tpu.memory_space<vmem>>
      %dma_start3A_127 = tpu.memref_squeeze %dma_start3A_126 : memref<1x128xi32, #tpu.memory_space<vmem>> -> memref<128xi32, #tpu.memory_space<vmem>>
      %dma_start3A_128 = arith.constant 0 : i32
      %dma_start3A_129 = arith.constant 0 : i32
      %dma_start3A_130 = tpu.memref_slice %arg7[%dma_start3A_128, %dma_start3A_129] : memref<50048x32xf32, #tpu.memory_space<vmem_shared>> -> memref<50048x32xf32, #tpu.memory_space<vmem_shared>>
      tpu.enqueue_indirect_dma source(%dma_start3A_124 : memref<128x32xf32, #tpu.memory_space<vmem>>) target(%dma_start3A_130 : memref<50048x32xf32, #tpu.memory_space<vmem_shared>>) offsets(%dma_start3A_127 : memref<128xi32, #tpu.memory_space<vmem>>) semaphore(%arg13 : memref<!tpu.dma_semaphore, #tpu.memory_space<semaphore_mem>>) {add = true}
      %dma_start3A_131 = arith.constant 1 : i32
      %dma_start3A_132 = arith.constant 1 : i32
      %dma_start3A_133 = arith.constant 0 : i32
      %dma_start3A_134 = arith.constant 0 : i32
      %dma_start3A_135 = tpu.memref_slice %arg10[%dma_start3A_131, %dma_start3A_133, %dma_start3A_134] : memref<4x128x32xf32, #tpu.memory_space<vmem>> -> memref<1x128x32xf32, #tpu.memory_space<vmem>>
      %dma_start3A_136 = tpu.memref_squeeze %dma_start3A_135 : memref<1x128x32xf32, #tpu.memory_space<vmem>> -> memref<128x32xf32, #tpu.memory_space<vmem>>
      %dma_start3A_137 = arith.constant 0 : i32
      %dma_start3A_138 = tpu.memref_slice %arg9[%dma_start3A_132, %dma_start3A_137] : memref<4x128xi32, #tpu.memory_space<vmem>> -> memref<1x128xi32, #tpu.memory_space<vmem>>
      %dma_start3A_139 = tpu.memref_squeeze %dma_start3A_138 : memref<1x128xi32, #tpu.memory_space<vmem>> -> memref<128xi32, #tpu.memory_space<vmem>>
      %dma_start3A_140 = arith.constant 0 : i32
      %dma_start3A_141 = arith.constant 0 : i32
      %dma_start3A_142 = tpu.memref_slice %arg7[%dma_start3A_140, %dma_start3A_141] : memref<50048x32xf32, #tpu.memory_space<vmem_shared>> -> memref<50048x32xf32, #tpu.memory_space<vmem_shared>>
      tpu.enqueue_indirect_dma source(%dma_start3A_136 : memref<128x32xf32, #tpu.memory_space<vmem>>) target(%dma_start3A_142 : memref<50048x32xf32, #tpu.memory_space<vmem_shared>>) offsets(%dma_start3A_139 : memref<128xi32, #tpu.memory_space<vmem>>) semaphore(%arg13 : memref<!tpu.dma_semaphore, #tpu.memory_space<semaphore_mem>>) {add = true}
      %dma_start3A_143 = arith.constant 2 : i32
      %dma_start3A_144 = arith.constant 2 : i32
      %dma_start3A_145 = arith.constant 0 : i32
      %dma_start3A_146 = arith.constant 0 : i32
      %dma_start3A_147 = tpu.memref_slice %arg10[%dma_start3A_143, %dma_start3A_145, %dma_start3A_146] : memref<4x128x32xf32, #tpu.memory_space<vmem>> -> memref<1x128x32xf32, #tpu.memory_space<vmem>>
      %dma_start3A_148 = tpu.memref_squeeze %dma_start3A_147 : memref<1x128x32xf32, #tpu.memory_space<vmem>> -> memref<128x32xf32, #tpu.memory_space<vmem>>
      %dma_start3A_149 = arith.constant 0 : i32
      %dma_start3A_150 = tpu.memref_slice %arg9[%dma_start3A_144, %dma_start3A_149] : memref<4x128xi32, #tpu.memory_space<vmem>> -> memref<1x128xi32, #tpu.memory_space<vmem>>
      %dma_start3A_151 = tpu.memref_squeeze %dma_start3A_150 : memref<1x128xi32, #tpu.memory_space<vmem>> -> memref<128xi32, #tpu.memory_space<vmem>>
      %dma_start3A_152 = arith.constant 0 : i32
      %dma_start3A_153 = arith.constant 0 : i32
      %dma_start3A_154 = tpu.memref_slice %arg7[%dma_start3A_152, %dma_start3A_153] : memref<50048x32xf32, #tpu.memory_space<vmem_shared>> -> memref<50048x32xf32, #tpu.memory_space<vmem_shared>>
      tpu.enqueue_indirect_dma source(%dma_start3A_148 : memref<128x32xf32, #tpu.memory_space<vmem>>) target(%dma_start3A_154 : memref<50048x32xf32, #tpu.memory_space<vmem_shared>>) offsets(%dma_start3A_151 : memref<128xi32, #tpu.memory_space<vmem>>) semaphore(%arg13 : memref<!tpu.dma_semaphore, #tpu.memory_space<semaphore_mem>>) {add = true}
      %dma_start3A_155 = arith.constant 3 : i32
      %dma_start3A_156 = arith.constant 3 : i32
      %dma_start3A_157 = arith.constant 0 : i32
      %dma_start3A_158 = arith.constant 0 : i32
      %dma_start3A_159 = tpu.memref_slice %arg10[%dma_start3A_155, %dma_start3A_157, %dma_start3A_158] : memref<4x128x32xf32, #tpu.memory_space<vmem>> -> memref<1x128x32xf32, #tpu.memory_space<vmem>>
      %dma_start3A_160 = tpu.memref_squeeze %dma_start3A_159 : memref<1x128x32xf32, #tpu.memory_space<vmem>> -> memref<128x32xf32, #tpu.memory_space<vmem>>
      %dma_start3A_161 = arith.constant 0 : i32
      %dma_start3A_162 = tpu.memref_slice %arg9[%dma_start3A_156, %dma_start3A_161] : memref<4x128xi32, #tpu.memory_space<vmem>> -> memref<1x128xi32, #tpu.memory_space<vmem>>
      %dma_start3A_163 = tpu.memref_squeeze %dma_start3A_162 : memref<1x128xi32, #tpu.memory_space<vmem>> -> memref<128xi32, #tpu.memory_space<vmem>>
      %dma_start3A_164 = arith.constant 0 : i32
      %dma_start3A_165 = arith.constant 0 : i32
      %dma_start3A_166 = tpu.memref_slice %arg7[%dma_start3A_164, %dma_start3A_165] : memref<50048x32xf32, #tpu.memory_space<vmem_shared>> -> memref<50048x32xf32, #tpu.memory_space<vmem_shared>>
      tpu.enqueue_indirect_dma source(%dma_start3A_160 : memref<128x32xf32, #tpu.memory_space<vmem>>) target(%dma_start3A_166 : memref<50048x32xf32, #tpu.memory_space<vmem_shared>>) offsets(%dma_start3A_163 : memref<128xi32, #tpu.memory_space<vmem>>) semaphore(%arg13 : memref<!tpu.dma_semaphore, #tpu.memory_space<semaphore_mem>>) {add = true}
      %dma_wait3A_167 = arith.constant 0 : i32
      %dma_wait3A_168 = arith.constant 0 : i32
      %dma_wait3A_169 = arith.constant 0 : i32
      %dma_wait3A_170 = arith.constant 0 : i32
      %dma_wait3A_171 = tpu.memref_slice %arg10[%dma_wait3A_167, %dma_wait3A_169, %dma_wait3A_170] : memref<4x128x32xf32, #tpu.memory_space<vmem>> -> memref<1x128x32xf32, #tpu.memory_space<vmem>>
      %dma_wait3A_172 = tpu.memref_squeeze %dma_wait3A_171 : memref<1x128x32xf32, #tpu.memory_space<vmem>> -> memref<128x32xf32, #tpu.memory_space<vmem>>
      %dma_wait3A_173 = arith.constant 0 : i32
      %dma_wait3A_174 = tpu.memref_slice %arg9[%dma_wait3A_168, %dma_wait3A_173] : memref<4x128xi32, #tpu.memory_space<vmem>> -> memref<1x128xi32, #tpu.memory_space<vmem>>
      %dma_wait3A_175 = tpu.memref_squeeze %dma_wait3A_174 : memref<1x128xi32, #tpu.memory_space<vmem>> -> memref<128xi32, #tpu.memory_space<vmem>>
      %dma_wait3A_176 = arith.constant 0 : i32
      %dma_wait3A_177 = arith.constant 0 : i32
      %dma_wait3A_178 = tpu.memref_slice %arg7[%dma_wait3A_176, %dma_wait3A_177] : memref<50048x32xf32, #tpu.memory_space<vmem_shared>> -> memref<50048x32xf32, #tpu.memory_space<vmem_shared>>
      tpu.wait_indirect_dma semaphore(%arg13 : memref<!tpu.dma_semaphore, #tpu.memory_space<semaphore_mem>>) src(%dma_wait3A_172 : memref<128x32xf32, #tpu.memory_space<vmem>>) dst(%dma_wait3A_178 : memref<50048x32xf32, #tpu.memory_space<vmem_shared>>)
      %dma_wait3A_179 = arith.constant 1 : i32
      %dma_wait3A_180 = arith.constant 1 : i32
      %dma_wait3A_181 = arith.constant 0 : i32
      %dma_wait3A_182 = arith.constant 0 : i32
      %dma_wait3A_183 = tpu.memref_slice %arg10[%dma_wait3A_179, %dma_wait3A_181, %dma_wait3A_182] : memref<4x128x32xf32, #tpu.memory_space<vmem>> -> memref<1x128x32xf32, #tpu.memory_space<vmem>>
      %dma_wait3A_184 = tpu.memref_squeeze %dma_wait3A_183 : memref<1x128x32xf32, #tpu.memory_space<vmem>> -> memref<128x32xf32, #tpu.memory_space<vmem>>
      %dma_wait3A_185 = arith.constant 0 : i32
      %dma_wait3A_186 = tpu.memref_slice %arg9[%dma_wait3A_180, %dma_wait3A_185] : memref<4x128xi32, #tpu.memory_space<vmem>> -> memref<1x128xi32, #tpu.memory_space<vmem>>
      %dma_wait3A_187 = tpu.memref_squeeze %dma_wait3A_186 : memref<1x128xi32, #tpu.memory_space<vmem>> -> memref<128xi32, #tpu.memory_space<vmem>>
      %dma_wait3A_188 = arith.constant 0 : i32
      %dma_wait3A_189 = arith.constant 0 : i32
      %dma_wait3A_190 = tpu.memref_slice %arg7[%dma_wait3A_188, %dma_wait3A_189] : memref<50048x32xf32, #tpu.memory_space<vmem_shared>> -> memref<50048x32xf32, #tpu.memory_space<vmem_shared>>
      tpu.wait_indirect_dma semaphore(%arg13 : memref<!tpu.dma_semaphore, #tpu.memory_space<semaphore_mem>>) src(%dma_wait3A_184 : memref<128x32xf32, #tpu.memory_space<vmem>>) dst(%dma_wait3A_190 : memref<50048x32xf32, #tpu.memory_space<vmem_shared>>)
      %dma_wait3A_191 = arith.constant 2 : i32
      %dma_wait3A_192 = arith.constant 2 : i32
      %dma_wait3A_193 = arith.constant 0 : i32
      %dma_wait3A_194 = arith.constant 0 : i32
      %dma_wait3A_195 = tpu.memref_slice %arg10[%dma_wait3A_191, %dma_wait3A_193, %dma_wait3A_194] : memref<4x128x32xf32, #tpu.memory_space<vmem>> -> memref<1x128x32xf32, #tpu.memory_space<vmem>>
      %dma_wait3A_196 = tpu.memref_squeeze %dma_wait3A_195 : memref<1x128x32xf32, #tpu.memory_space<vmem>> -> memref<128x32xf32, #tpu.memory_space<vmem>>
      %dma_wait3A_197 = arith.constant 0 : i32
      %dma_wait3A_198 = tpu.memref_slice %arg9[%dma_wait3A_192, %dma_wait3A_197] : memref<4x128xi32, #tpu.memory_space<vmem>> -> memref<1x128xi32, #tpu.memory_space<vmem>>
      %dma_wait3A_199 = tpu.memref_squeeze %dma_wait3A_198 : memref<1x128xi32, #tpu.memory_space<vmem>> -> memref<128xi32, #tpu.memory_space<vmem>>
      %dma_wait3A_200 = arith.constant 0 : i32
      %dma_wait3A_201 = arith.constant 0 : i32
      %dma_wait3A_202 = tpu.memref_slice %arg7[%dma_wait3A_200, %dma_wait3A_201] : memref<50048x32xf32, #tpu.memory_space<vmem_shared>> -> memref<50048x32xf32, #tpu.memory_space<vmem_shared>>
      tpu.wait_indirect_dma semaphore(%arg13 : memref<!tpu.dma_semaphore, #tpu.memory_space<semaphore_mem>>) src(%dma_wait3A_196 : memref<128x32xf32, #tpu.memory_space<vmem>>) dst(%dma_wait3A_202 : memref<50048x32xf32, #tpu.memory_space<vmem_shared>>)
      %dma_wait3A_203 = arith.constant 3 : i32
      %dma_wait3A_204 = arith.constant 3 : i32
      %dma_wait3A_205 = arith.constant 0 : i32
      %dma_wait3A_206 = arith.constant 0 : i32
      %dma_wait3A_207 = tpu.memref_slice %arg10[%dma_wait3A_203, %dma_wait3A_205, %dma_wait3A_206] : memref<4x128x32xf32, #tpu.memory_space<vmem>> -> memref<1x128x32xf32, #tpu.memory_space<vmem>>
      %dma_wait3A_208 = tpu.memref_squeeze %dma_wait3A_207 : memref<1x128x32xf32, #tpu.memory_space<vmem>> -> memref<128x32xf32, #tpu.memory_space<vmem>>
      %dma_wait3A_209 = arith.constant 0 : i32
      %dma_wait3A_210 = tpu.memref_slice %arg9[%dma_wait3A_204, %dma_wait3A_209] : memref<4x128xi32, #tpu.memory_space<vmem>> -> memref<1x128xi32, #tpu.memory_space<vmem>>
      %dma_wait3A_211 = tpu.memref_squeeze %dma_wait3A_210 : memref<1x128xi32, #tpu.memory_space<vmem>> -> memref<128xi32, #tpu.memory_space<vmem>>
      %dma_wait3A_212 = arith.constant 0 : i32
      %dma_wait3A_213 = arith.constant 0 : i32
      %dma_wait3A_214 = tpu.memref_slice %arg7[%dma_wait3A_212, %dma_wait3A_213] : memref<50048x32xf32, #tpu.memory_space<vmem_shared>> -> memref<50048x32xf32, #tpu.memory_space<vmem_shared>>
      tpu.wait_indirect_dma semaphore(%arg13 : memref<!tpu.dma_semaphore, #tpu.memory_space<semaphore_mem>>) src(%dma_wait3A_208 : memref<128x32xf32, #tpu.memory_space<vmem>>) dst(%dma_wait3A_214 : memref<50048x32xf32, #tpu.memory_space<vmem_shared>>)
    }
    %scan3A_9 = arith.constant 98 : i32
    %barrier3A_10 = arith.constant 0 : index
    tpu.barrier barrier_id(%barrier3A_10)
    %scan3A_11 = arith.constant 0 : i32
    %scan3A_12 = arith.constant 23 : i32
    %scan3A_13 = arith.addi %scan3A_11, %scan3A_12 : i32
    %scan3A_14 = arith.constant 1 : i32
    scf.for %scan3A_16 = %scan3A_11 to %scan3A_13 step %scan3A_14  : i32 {
      %mul3A_17 = arith.constant 1 : i32
      %mul3A_18 = arith.muli %scan3A_16, %mul3A_17 : i32
      %add3A = arith.constant 0 : i32
      %add3A_19 = arith.addi %add3A, %mul3A_18 : i32
      %mul3A_20 = arith.constant 136 : i32
      %mul3A_21 = arith.muli %add3A_19, %mul3A_20 : i32
      %add3A_22 = arith.addi %mul3A_0, %mul3A_21 : i32
      "tpu.region"() ({
        %run_scoped3A = tpu.sem_alloc : memref<!tpu.dma_semaphore, #tpu.memory_space<semaphore_mem>>
        %dma_start3A = arith.constant 0 : i32
        %dma_start3A_23 = tpu.memref_slice %arg7[%add3A_22, %dma_start3A] : memref<50048x32xf32, #tpu.memory_space<vmem_shared>> -> memref<136x32xf32, #tpu.memory_space<vmem_shared>>
        %dma_start3A_24 = arith.constant 0 : i32
        %dma_start3A_25 = tpu.memref_slice %arg7[%add3A_22, %dma_start3A_24] : memref<50048x32xf32, #tpu.memory_space<vmem_shared>> -> memref<136x32xf32, #tpu.memory_space<vmem_shared>>
        tpu.enqueue_dma source(%dma_start3A_25 : memref<136x32xf32, #tpu.memory_space<vmem_shared>>) target(%arg11 : memref<136x32xf32, #tpu.memory_space<vmem>>) target_semaphore(%run_scoped3A : memref<!tpu.dma_semaphore, #tpu.memory_space<semaphore_mem>>)
        %dma_wait3A = arith.constant 0 : i32
        %dma_wait3A_26 = tpu.memref_slice %arg7[%add3A_22, %dma_wait3A] : memref<50048x32xf32, #tpu.memory_space<vmem_shared>> -> memref<136x32xf32, #tpu.memory_space<vmem_shared>>
        %dma_wait3A_27 = arith.constant 0 : i32
        %dma_wait3A_28 = tpu.memref_slice %arg7[%add3A_22, %dma_wait3A_27] : memref<50048x32xf32, #tpu.memory_space<vmem_shared>> -> memref<136x32xf32, #tpu.memory_space<vmem_shared>>
        tpu.wait_dma2 semaphore(%run_scoped3A : memref<!tpu.dma_semaphore, #tpu.memory_space<semaphore_mem>>) src(%dma_wait3A_28 : memref<136x32xf32, #tpu.memory_space<vmem_shared>>) dst(%arg11 : memref<136x32xf32, #tpu.memory_space<vmem>>)
        tpu.yield
      }) : () -> ()
      "tpu.region"() ({
        %run_scoped3A = tpu.sem_alloc : memref<!tpu.dma_semaphore, #tpu.memory_space<semaphore_mem>>
        %dma_start3A = arith.constant 0 : i32
        %dma_start3A_23 = tpu.memref_slice %arg6[%arg0, %add3A_22, %dma_start3A] : memref<2x50048x32xf32, #tpu.memory_space<hbm>> -> memref<1x136x32xf32, #tpu.memory_space<hbm>>
        %dma_start3A_24 = tpu.memref_squeeze %dma_start3A_23 : memref<1x136x32xf32, #tpu.memory_space<hbm>> -> memref<136x32xf32, #tpu.memory_space<hbm>>
        %dma_start3A_25 = arith.constant 0 : i32
        %dma_start3A_26 = tpu.memref_slice %arg6[%arg0, %add3A_22, %dma_start3A_25] : memref<2x50048x32xf32, #tpu.memory_space<hbm>> -> memref<1x136x32xf32, #tpu.memory_space<hbm>>
        %dma_start3A_27 = tpu.memref_squeeze %dma_start3A_26 : memref<1x136x32xf32, #tpu.memory_space<hbm>> -> memref<136x32xf32, #tpu.memory_space<hbm>>
        tpu.enqueue_dma source(%arg11 : memref<136x32xf32, #tpu.memory_space<vmem>>) target(%dma_start3A_27 : memref<136x32xf32, #tpu.memory_space<hbm>>) target_semaphore(%run_scoped3A : memref<!tpu.dma_semaphore, #tpu.memory_space<semaphore_mem>>)
        %dma_wait3A = arith.constant 0 : i32
        %dma_wait3A_28 = tpu.memref_slice %arg6[%arg0, %add3A_22, %dma_wait3A] : memref<2x50048x32xf32, #tpu.memory_space<hbm>> -> memref<1x136x32xf32, #tpu.memory_space<hbm>>
        %dma_wait3A_29 = tpu.memref_squeeze %dma_wait3A_28 : memref<1x136x32xf32, #tpu.memory_space<hbm>> -> memref<136x32xf32, #tpu.memory_space<hbm>>
        %dma_wait3A_30 = arith.constant 0 : i32
        %dma_wait3A_31 = tpu.memref_slice %arg6[%arg0, %add3A_22, %dma_wait3A_30] : memref<2x50048x32xf32, #tpu.memory_space<hbm>> -> memref<1x136x32xf32, #tpu.memory_space<hbm>>
        %dma_wait3A_32 = tpu.memref_squeeze %dma_wait3A_31 : memref<1x136x32xf32, #tpu.memory_space<hbm>> -> memref<136x32xf32, #tpu.memory_space<hbm>>
        tpu.wait_dma2 semaphore(%run_scoped3A : memref<!tpu.dma_semaphore, #tpu.memory_space<semaphore_mem>>) src(%arg11 : memref<136x32xf32, #tpu.memory_space<vmem>>) dst(%dma_wait3A_32 : memref<136x32xf32, #tpu.memory_space<hbm>>)
        tpu.yield
      }) : () -> ()
    }
    %scan3A_15 = arith.constant 23 : i32
    return
  }
}

module attributes {stable_mosaic.version = 14 : i64} {
  func.func @_combine_body(%arg0: i32, %arg1: memref<2x1088x32xf32, #tpu.memory_space<vmem>>, %arg2: memref<2x1088x16xf32, #tpu.memory_space<vmem>>, %arg3: memref<32x32xf32, #tpu.memory_space<vmem>>, %arg4: memref<32x32xf32, #tpu.memory_space<vmem>>, %arg5: memref<1x32xf32, #tpu.memory_space<vmem>>, %arg6: memref<1088x32xf32, #tpu.memory_space<vmem>>) attributes {dimension_semantics = [#tpu.dimension_semantics<arbitrary>], iteration_bounds = array<i64: 46>, scalar_prefetch = 0 : i64, scratch_operands = 0 : i64, tpu.core_type = #tpu.core_type<tc>, window_params = [{transform_indices = @transform_0, window_bounds = array<i64: 2, 1088, 32>}, {transform_indices = @transform_1, window_bounds = array<i64: 2, 1088, 16>}, {pipeline_mode = #tpu.pipeline_mode<synchronous>, transform_indices = @transform_2, window_bounds = array<i64: 32, 32>}, {pipeline_mode = #tpu.pipeline_mode<synchronous>, transform_indices = @transform_3, window_bounds = array<i64: 32, 32>}, {pipeline_mode = #tpu.pipeline_mode<synchronous>, transform_indices = @transform_4, window_bounds = array<i64: 1, 32>}, {transform_indices = @transform_5, window_bounds = array<i64: 1088, 32>}]} {
    %get3A = arith.constant 0 : index
    %get3A_0 = arith.constant 0 : index
    %get3A_1 = arith.constant 0 : index
    %get3A_2 = vector.load %arg1[%get3A, %get3A_0, %get3A_1] : memref<2x1088x32xf32, #tpu.memory_space<vmem>>, vector<1x1088x32xf32>
    %get3A_3 = vector.shape_cast %get3A_2 : vector<1x1088x32xf32> to vector<1088x32xf32>
    %get3A_4 = arith.constant 1 : index
    %get3A_5 = arith.constant 0 : index
    %get3A_6 = arith.constant 0 : index
    %get3A_7 = vector.load %arg1[%get3A_4, %get3A_5, %get3A_6] : memref<2x1088x32xf32, #tpu.memory_space<vmem>>, vector<1x1088x32xf32>
    %get3A_8 = vector.shape_cast %get3A_7 : vector<1x1088x32xf32> to vector<1088x32xf32>
    %get3A_9 = arith.constant 0 : index
    %get3A_10 = arith.constant 0 : index
    %get3A_11 = arith.constant 0 : index
    %get3A_12 = vector.load %arg2[%get3A_9, %get3A_10, %get3A_11] : memref<2x1088x16xf32, #tpu.memory_space<vmem>>, vector<1x1088x1xf32>
    %get3A_13 = vector.shape_cast %get3A_12 : vector<1x1088x1xf32> to vector<1088x1xf32>
    %max3A = arith.constant 1.000000e+00 : f32
    %max3A_14 = vector.broadcast %max3A : f32 to vector<1088x1xf32>
    %max3A_15 = arith.maximumf %get3A_13, %max3A_14 : vector<1088x1xf32>
    %div3A = arith.constant 1.000000e+00 : f32
    %div3A_16 = vector.broadcast %div3A : f32 to vector<1088x1xf32>
    %div3A_17 = arith.divf %div3A_16, %max3A_15 : vector<1088x1xf32>
    %get3A_18 = arith.constant 1 : index
    %get3A_19 = arith.constant 0 : index
    %get3A_20 = arith.constant 0 : index
    %get3A_21 = vector.load %arg2[%get3A_18, %get3A_19, %get3A_20] : memref<2x1088x16xf32, #tpu.memory_space<vmem>>, vector<1x1088x1xf32>
    %get3A_22 = vector.shape_cast %get3A_21 : vector<1x1088x1xf32> to vector<1088x1xf32>
    %max3A_23 = arith.constant 1.000000e+00 : f32
    %max3A_24 = vector.broadcast %max3A_23 : f32 to vector<1088x1xf32>
    %max3A_25 = arith.maximumf %get3A_22, %max3A_24 : vector<1088x1xf32>
    %div3A_26 = arith.constant 1.000000e+00 : f32
    %div3A_27 = vector.broadcast %div3A_26 : f32 to vector<1088x1xf32>
    %div3A_28 = arith.divf %div3A_27, %max3A_25 : vector<1088x1xf32>
    %mul3A = vector.broadcast %div3A_17 : vector<1088x1xf32> to vector<1088x32xf32>
    %mul3A_29 = arith.mulf %get3A_3, %mul3A : vector<1088x32xf32>
    %get3A_30 = arith.constant 0 : index
    %get3A_31 = arith.constant 0 : index
    %get3A_32 = vector.load %arg3[%get3A_30, %get3A_31] : memref<32x32xf32, #tpu.memory_space<vmem>>, vector<32x32xf32>
    %dot_general3A = arith.constant dense<0.000000e+00> : vector<1088x32xf32>
    %dot_general3A_33 = tpu.matmul %mul3A_29, %get3A_32, %dot_general3A {dimension_numbers = #tpu.dot_dimension_numbers<[1], [0], [0], [1], [0, 0, 1, 1], [], []>, transpose_lhs_hint = false} : vector<1088x32xf32>, vector<32x32xf32>, vector<1088x32xf32> -> vector<1088x32xf32>
    %mul3A_34 = vector.broadcast %div3A_28 : vector<1088x1xf32> to vector<1088x32xf32>
    %mul3A_35 = arith.mulf %get3A_8, %mul3A_34 : vector<1088x32xf32>
    %get3A_36 = arith.constant 0 : index
    %get3A_37 = arith.constant 0 : index
    %get3A_38 = vector.load %arg4[%get3A_36, %get3A_37] : memref<32x32xf32, #tpu.memory_space<vmem>>, vector<32x32xf32>
    %dot_general3A_39 = arith.constant dense<0.000000e+00> : vector<1088x32xf32>
    %dot_general3A_40 = tpu.matmul %mul3A_35, %get3A_38, %dot_general3A_39 {dimension_numbers = #tpu.dot_dimension_numbers<[1], [0], [0], [1], [0, 0, 1, 1], [], []>, transpose_lhs_hint = false} : vector<1088x32xf32>, vector<32x32xf32>, vector<1088x32xf32> -> vector<1088x32xf32>
    %add3A = arith.addf %dot_general3A_33, %dot_general3A_40 : vector<1088x32xf32>
    %get3A_41 = arith.constant 0 : index
    %get3A_42 = arith.constant 0 : index
    %get3A_43 = vector.load %arg5[%get3A_41, %get3A_42] : memref<1x32xf32, #tpu.memory_space<vmem>>, vector<1x32xf32>
    %add3A_44 = vector.broadcast %get3A_43 : vector<1x32xf32> to vector<1088x32xf32>
    %add3A_45 = arith.addf %add3A, %add3A_44 : vector<1088x32xf32>
    %ge3A = arith.constant 0.000000e+00 : f32
    %ge3A_46 = vector.broadcast %ge3A : f32 to vector<1088x32xf32>
    %ge3A_47 = arith.cmpf oge, %add3A_45, %ge3A_46 : vector<1088x32xf32>
    %mul3A_48 = arith.constant 5.000000e-02 : f32
    %mul3A_49 = vector.broadcast %mul3A_48 : f32 to vector<1088x32xf32>
    %mul3A_50 = arith.mulf %mul3A_49, %add3A_45 : vector<1088x32xf32>
    %select_n3A = arith.select %ge3A_47, %add3A_45, %mul3A_50 : vector<1088x32xi1>, vector<1088x32xf32>
    %swap3A = arith.constant 0 : index
    %swap3A_51 = arith.constant 0 : index
    %swap3A_52 = vector.load %arg6[%swap3A, %swap3A_51] : memref<1088x32xf32, #tpu.memory_space<vmem>>, vector<1088x32xf32>
    tpu.vector_store %arg6[%swap3A, %swap3A_51], %select_n3A {strides = array<i32>} : memref<1088x32xf32, #tpu.memory_space<vmem>>, vector<1088x32xf32>,
    return
  }
  func.func @transform_0(%arg0: i32) -> (i32, i32, i32) {
    %c0_i32 = arith.constant 0 : i32
    %c0_i32_0 = arith.constant 0 : i32
    %c0_i32_1 = arith.constant 0 : i32
    return %c0_i32, %arg0, %c0_i32_0 : i32, i32, i32
  }
  func.func @transform_1(%arg0: i32) -> (i32, i32, i32) {
    %c0_i32 = arith.constant 0 : i32
    %c0_i32_0 = arith.constant 0 : i32
    %c0_i32_1 = arith.constant 0 : i32
    return %c0_i32, %arg0, %c0_i32_0 : i32, i32, i32
  }
  func.func @transform_2(%arg0: i32) -> (i32, i32) {
    %c0_i32 = arith.constant 0 : i32
    %c0_i32_0 = arith.constant 0 : i32
    %c0_i32_1 = arith.constant 0 : i32
    return %c0_i32, %c0_i32_0 : i32, i32
  }
  func.func @transform_3(%arg0: i32) -> (i32, i32) {
    %c0_i32 = arith.constant 0 : i32
    %c0_i32_0 = arith.constant 0 : i32
    %c0_i32_1 = arith.constant 0 : i32
    return %c0_i32, %c0_i32_0 : i32, i32
  }
  func.func @transform_4(%arg0: i32) -> (i32, i32) {
    %c0_i32 = arith.constant 0 : i32
    %c0_i32_0 = arith.constant 0 : i32
    %c0_i32_1 = arith.constant 0 : i32
    return %c0_i32, %c0_i32_0 : i32, i32
  }
  func.func @transform_5(%arg0: i32) -> (i32, i32) {
    %c0_i32 = arith.constant 0 : i32
    %c0_i32_0 = arith.constant 0 : i32
    return %arg0, %c0_i32 : i32, i32
  }
}

</mosaic_0001>

<sc_bundles>
// kernel: kernel.10.cloned.1.call-start
scs
__scs_entry_jumppad:
0x0: {  	(pc) =	sbr.rel $0x88, $3  }
0x1: {  	(tag) =	ssettag $0x0;
	lr =	simm.s32 $0x1  }
0x2: {  	[smem:$0x3F9B] =	sst lr;
	_ =	strace $0xD0000000  }
0x3: {  	_ = 	snop  }
0x4: {  	_ = 	snop  }
0x5: {  	_ = 	snop  }
0x6: {  	_ = 	snop  }
0x7: {  	_ = 	snop  }
__scs_overlays_trampoline_lowered:
0x8: {  	[smem:$0x3FAA] =	sst s0  }
0x9: {  	[smem:$0x3FAB] =	sst s1  }
0xa: {  	[smem:$0x3FAC] =	sst s2  }
0xb: {  	[smem:$0x3FAD] =	sst s3  }
0xc: {  	[smem:$0x3FAE] =	sst s4  }
0xd: {  	[smem:$0x3FAF] =	sst s5  }
0xe: {  	[smem:$0x3FB0] =	sst s6  }
0xf: {  	[smem:$0x3FB1] =	sst s7  }
0x10: {  	[smem:$0x3FB2] =	sst s8  }
0x11: {  	[smem:$0x3FB3] =	sst s9;
	s0 =	simm.s32 @!p0 $0x0  }
0x12: {  	s1 =	sld [smem:$0x3F99];
	s0 =	simm.s32 @p0 $0x1  }
0x13: {  	[smem:$0x3FB4] =	sst s0;
	s0 =	simm.s32 @!p1 $0x0  }
0x14: {  	s2 =	sld [smem:$0x3F98];
	s0 =	simm.s32 @p1 $0x1  }
0x15: {  	[smem:$0x3FB5] =	sst s0;
	s0 =	simm.s32 @!p2 $0x0  }
0x16: {  	s3 =	sld [smem:$0x3FDB];
	s0 =	simm.s32 @p2 $0x1  }
0x17: {  	s4 =	simm.s32 $0x1BF5;
	[smem:$0x3FB7] =	sst s0  }
0x18: {  	s0 =	sld [smem:$0x3F9A];
	_ =	swait.ge [sflag:s4], $0x0  }
0x19: {  	s7 =	sld [smem:$0x3F9B]  }
0x1a: {  	s8 =	sadd.s32 $0xFFFFE003, lr  }
0x1b: {  	s9 =	sadd.s32 $0xFFFFFEF7, lr;
	s5 =	simm.s32 $0xFFFFFFFF;
	p2 =	slt.u32 s8, $0xFFFFF086  }
0x1c: {  	p1 =	slt.u32 s9, $0xF7A;
	s5 =	simm.s32 @!p2 $0x0  }
0x1d: {  	s5 =	simm.s32 @p1 $0x1;
	p0 =	seq.s32 s7, s2  }
0x1e: {  	s7 =	smul.u32 @!p0 $0xF7A, s2;
	p2 =	seq.s32 @!p0 s5, $0x0  }
0x1f: {  	s9 =	smul.u32 $0xF7A, s1;
	s8 =	simm.s32 @!p0 $0x1BF5;
	p2 =	por !p2, p0  }
0x20: {  	[sflag:s8] =	ssyncset.s32 @!p0 $0xFFFFF086;
	s6 =	sadd.s32 @!p0 s3, s7;
	s7 =	simm.s32 @!p0 $0x108  }
0x21: {  	s3 =	sadd.s32 s3, s9;
	s6 =	sadd.s32 @!p0 $0x88, s6;
	s7 =	simm.s32 @p2 $0x1082  }
0x22: {  	[simem:s7], [sflag:s8] =	dma.local @!p0 [hbm:s6], $0xF7A  }
0x23: {  	s9 =	sor.u32 $0xD0000000, s2;
	s6 =	simm.s32 $0x108;
	_ =	swait.ge @!p0 [sflag:s8], $0x0  }
0x24: {  	s3 =	sadd.s32 $0x88, s3;
	s6 =	simm.s32 @!p1 $0x1082;
	[sflag:s4] =	ssyncset.s32 $0xFFFFF086  }
0x25: {  	[simem:s6], [sflag:s4] =	dma.local [hbm:s3], $0xF7A  }
0x26: {  	[smem:$0x3F9B] =	sst s1;
	(tag) =	ssettag s2;
	_ =	strace s9  }
0x27: {  	s1 =	sld [smem:$0x3FAB]  }
0x28: {  	s2 =	sld [smem:$0x3FAC]  }
0x29: {  	s4 =	sld [smem:$0x3FAE]  }
0x2a: {  	p0 =	seq.s32 s5, $0x0;
	s5 =	sld [smem:$0x3FAF]  }
0x2b: {  	s6 =	sld [smem:$0x3FB0]  }
0x2c: {  	s7 =	sld [smem:$0x3FB1]  }
0x2d: {  	s3 =	simm.s32 $0x108;
	s8 =	sld [smem:$0x3FB2]  }
0x2e: {  	s3 =	simm.s32 @!p0 $0x1082;
	s9 =	sld [smem:$0x3FB3]  }
0x2f: {  	lr =	sadd.s32 s0, s3;
	s0 =	sld [smem:$0x3FAA]  }
0x30: {  	s3 =	sld [smem:$0x3FAD]  }
0x31: {  	[smem:$0x3FB6] =	sst s10  }
0x32: {  	s10 =	sld [smem:$0x3FB4];
	_ =	sdelay $0x3  }
0x33: {  	p0 =	seq.s32 s10, $0x1;
	s10 =	sld [smem:$0x3FB6];
	_ =	sdelay $0x3  }
0x34: {  	[smem:$0x3FB6] =	sst s10  }
0x35: {  	s10 =	sld [smem:$0x3FB5];
	_ =	sdelay $0x3  }
0x36: {  	p1 =	seq.s32 s10, $0x1;
	s10 =	sld [smem:$0x3FB6];
	_ =	sdelay $0x3  }
0x37: {  	[smem:$0x3FB6] =	sst s10  }
0x38: {  	s10 =	sld [smem:$0x3FB7]  }
0x39: {  	_ = 	snop;
	(pc) =	sbr.ind lr, $3  }
0x3a: {  	_ = 	snop  }
0x3b: {  	_ = 	snop  }
0x3c: {  	p2 =	seq.s32 s10, $0x1;
	s10 =	sld [smem:$0x3FB6]  }
0x3d: {  	_ =	shalt  }
0x3e: {  	_ =	shalt  }
0x3f: {  	_ =	shalt  }
0x40: {  	_ =	shalt  }
0x41: {  	_ =	shalt  }
0x42: {  	_ =	shalt  }
0x43: {  	_ =	shalt  }
0x44: {  	_ =	shalt  }
0x45: {  	_ =	shalt  }
0x46: {  	_ =	shalt  }
0x47: {  	_ =	shalt  }
0x48: {  	_ =	shalt  }
0x49: {  	_ =	shalt  }
0x4a: {  	_ =	shalt  }
0x4b: {  	_ =	shalt  }
0x4c: {  	_ =	shalt  }
0x4d: {  	_ =	shalt  }
0x4e: {  	_ =	shalt  }
0x4f: {  	_ =	shalt  }
0x50: {  	_ =	shalt  }
0x51: {  	_ =	shalt  }
0x52: {  	_ =	shalt  }
0x53: {  	_ =	shalt  }
0x54: {  	_ =	shalt  }
0x55: {  	_ =	shalt  }
0x56: {  	_ =	shalt  }
0x57: {  	_ =	shalt  }
0x58: {  	_ =	shalt  }
0x59: {  	_ =	shalt  }
0x5a: {  	_ =	shalt  }
0x5b: {  	_ =	shalt  }
0x5c: {  	_ =	shalt  }
0x5d: {  	_ =	shalt  }
0x5e: {  	_ =	shalt  }
0x5f: {  	_ =	shalt  }
0x60: {  	_ =	shalt  }
0x61: {  	_ =	shalt  }
0x62: {  	_ =	shalt  }
0x63: {  	_ =	shalt  }
0x64: {  	_ =	shalt  }
0x65: {  	_ =	shalt  }
0x66: {  	_ =	shalt  }
0x67: {  	_ =	shalt  }
0x68: {  	_ =	shalt  }
0x69: {  	_ =	shalt  }
0x6a: {  	_ =	shalt  }
0x6b: {  	_ =	shalt  }
0x6c: {  	_ =	shalt  }
0x6d: {  	_ =	shalt  }
0x6e: {  	_ =	shalt  }
0x6f: {  	_ =	shalt  }
0x70: {  	_ =	shalt  }
0x71: {  	_ =	shalt  }
0x72: {  	_ =	shalt  }
0x73: {  	_ =	shalt  }
0x74: {  	_ =	shalt  }
0x75: {  	_ =	shalt  }
0x76: {  	_ =	shalt  }
0x77: {  	_ =	shalt  }
0x78: {  	_ =	shalt  }
0x79: {  	_ =	shalt  }
0x7a: {  	_ =	shalt  }
0x7b: {  	_ =	shalt  }
0x7c: {  	_ =	shalt  }
0x7d: {  	_ =	shalt  }
0x7e: {  	_ =	shalt  }
0x7f: {  	_ =	shalt  }
0x80: {  	_ =	shalt  }
0x81: {  	_ =	shalt  }
0x82: {  	_ =	shalt  }
0x83: {  	_ =	shalt  }
0x84: {  	_ =	shalt  }
0x85: {  	_ =	shalt  }
0x86: {  	_ =	shalt  }
0x87: {  	_ =	shalt  }
.Lfunc_end0:
.L_simem_size_0:
called_computation.1_lowered:
.L_overlay_start_0:
0x88: {  	s2 =	sld [smem:$0x3FD9]  }
0x89: {  	s3 =	sld [smem:$0x3FFE];
	_ =	sdelay $0x1  }
0x8a: {  	s1 =	srdreg.scid  }
0x8b: {  	s0 =	sand.u32 $0x1, s1  }
0x8c: {  	s16 =	sshll.u32 s0, $0xA;
	s2 =	sadd.s32 s3, s2  }
0x8d: {  	s2 =	sadd.s32 s2, s16  }
0x8e: {  	[smem:$0x3FC2] =	sst s2  }
0x8f: {  	_ = 	snop  }
0x90: {  	(tm) =	ssettm $0x1  }
0x91: {  	s17 =	sld [smem:$0x3FFB];
	_ =	sdelay $0x3  }
0x92: {  	_ =	strace s17  }
0x93: {  	s2 =	sld [smem:$0x3FFC];
	_ =	sdelay $0x3  }
0x94: {  	_ =	strace s2  }
0x95: {  	s2 =	sld [smem:$0x3FFD];
	_ =	sdelay $0x3  }
0x96: {  	_ =	strace s2  }
0x97: {  	_ =	strace $0x8FFFFFFF  }
0x98: {  	s18 =	sld [smem:$0x3FDB];
	_ =	sdelay $0x1  }
0x99: {  	s19 =	simm.s32 $_scs_section_size  }
0x9a: {  	s4 =	simm.s32 $_size__tile_overlayer_lowered;
	s5 =	simm.s32 $_tile_overlayer_lowered  }
0x9b: {  	s22 =	simm.s32 $0x1BFF;
	s21 =	sshll.u32 s5, $0x1;
	s2 =	sadd.s32 s19, s18  }
0x9c: {  	s6 =	simm.s32 $0x0;
	s20 =	sshll.u32 s4, $0x1;
	s4 =	sadd.s32 s21, s2  }
0x9d: {  	[timem:s6], [sflag:s22] =	dma.local [hbm:s4], s20  }
0x9e: {  	_ =	swait.ge [sflag:s22], s20  }
0x9f: {  	s3 =	ssub.s32 $0x0, s20;
	[sflag:s22] =	ssyncset.done $0x0  }
0xa0: {  	[sflag:s22] =	ssyncadd.s32 s3;
	_ =	sdelay $0x1  }
0xa1: {  	s23 =	simm.s32 $0x1B8B  }
0xa2: {  	_ =	swait.ge [sflag:s23], $0x1  }
0xa3: {  	[sflag:s23] =	ssyncset.done $0x0  }
0xa4: {  	s25 =	simm.s32 $0x1B8E;
	s24 =	sld [smem:$0x3FFE];
	[sflag:s23] =	ssyncadd.s32 $0xFFFFFFFF  }
0xa5: {  	s26 =	simm.s32 $execute0_lowered;
	[smem:$0x3FD2] =	sst s25  }
0xa6: {  	s4 =	sshll.u32 s26, $0x1;
	_ =	strace $0x80000046;
	[dreg:$0x1] =	wrdreg $0xFFFFFFFF  }
0xa7: {  	s28 =	simm.s32 $_size_execute0_lowered;
	s2 =	sadd.s32 s2, s4;
	[dreg:$0x0] =	wrdreg $0x0  }
0xa8: {  	s4 =	sshll.u32 s28, $0x1;
	[dreg:$0x2] =	wrdreg s2  }
0xa9: {  	[dreg:$0x3] =	wrdreg s4  }
0xaa: {  	[dreg:$0x4] =	wrdreg $0xC0  }
0xab: {  	_ =	task [dreg:s6], $0x5FFFF  }
0xac: {  	[dreg:$0x1] =	wrdreg $0xFFFFFFFF  }
0xad: {  	[dreg:$0x0] =	wrdreg $0x60  }
0xae: {  	[dreg:$0x2] =	wrdreg s24  }
0xaf: {  	[dreg:$0x3] =	wrdreg $0x0  }
0xb0: {  	[dreg:$0x4] =	wrdreg $0xA  }
0xb1: {  	_ =	task.clear_ibuf [dreg:s6], $0x5FFFF;
	_ =	strace $0x90000046  }
0xb2: {  	s29 =	simm.s32 $0xA;
	_ =	strace $0x80000048  }
0xb3: {  	_ =	swait.ge [sflag:s29], $0x1  }
0xb4: {  	[sflag:s29] =	ssyncadd.s32 $0xFFFFFFFF  }
0xb5: {  	_ =	strace $0x90000048  }
0xb6: {  	_ =	sfence  }
0xb7: {  	s30 =	sld [smem:$0x0];
	_ =	sdelay $0x2  }
0xb8: {  	s31 =	sshll.u32 s1, $0xD;
	s1 =	sshrl.u32 s1, $0x2  }
0xb9: {  	s3 =	sand.u32 $0x4000, s31;
	s1 =	sadd.s32 s1, s30  }
0xba: {  	s0 =	sor.u32 s3, s0;
	s1 =	sshll.u32 s1, $0x11  }
0xbb: {  	s0 =	sor.u32 s1, s0  }
0xbc: {  	s0 =	sadd.s32 $0x8F2B, s0  }
0xbd: {  	[sflag:s0] =	ssyncadd.remote.s32 $0x1  }
0xbe: {  	_ =	sfence.sel $0xFFFF  }
0xbf: {  	[dreg:$0x0] =	wrdreg $0xFFFFFFFF;
	(pc) =	sbr.abs _section_cstart, $3  }
0xc0: {  	[dreg:$0x1] =	wrdreg $0xFFFFFFFF  }
0xc1: {  	_ =	task.clear_ibuf [dreg:s6], $0x2FFFF;
	_ =	strace $0x9FFFFFFF  }
0xc2: {  	(tm) =	ssettm $0x7FFFFFFF  }
0xc3: {  	_ =	shalt  }
tec
execute0_lowered:
.L_overlay_start_1:
0x0: {  	(tag) =	ssettag $0x1  }
0x1: {  	s0 =	rddreg [dreg:$0x0];
	s1 =	srdreg.scid  }
0x2: {  	s2 =	rddreg [dreg:$0x1];
	s24 =	stileid.u32  }
0x3: {  	s3 =	simm.s32 $0x0;
	s11 =	simm.s32 $0x1CB00;
	s12 =	simm.s32 $0x3  }
0x4: {  	s13 =	simm.s32 $0x18700;
	s14 =	simm.s32 $0x18900;
	s15 =	simm.s32 $0x80  }
0x5: {  	s16 =	simm.s32 $0x18B00;
	s17 =	simm.s32 $0x18780;
	s18 =	simm.s32 $0x19B00  }
0x6: {  	s19 =	simm.s32 $0x18800;
	s20 =	simm.s32 $0x1AB00;
	s21 =	simm.s32 $0x18880  }
0x7: {  	s22 =	simm.s32 $0x1BB00;
	s23 =	simm.s32 $0x1;
	s6 =	smul.u32 $0xC400, s24  }
0x8: {  	s28 =	simm.s32 $0x2;
	s29 =	simm.s32 $0x0;
	s8 =	smul.u32 $0x18700, s24  }
0x9: {  	s5 =	sand.u32 $0x1, s1;
	[smem:$0x7FF] =	sst s3;
	s10 =	smul.u32 $0x61C00, s24  }
0xa: {  	s26 =	sadd.s32 $0x1000, s0;
	s24 =	simm.s32 $0x18980;
	s4 =	smul.u32 $0xC4000, s5  }
0xb: {  	_ =	strace $0x80000047;
	s7 =	smul.u32 $0x187000, s5;
	s25 =	ssub.s32 $0x2, s5  }
0xc: {  	[dreg:$0x3] =	wrdreg s26;
	s26 =	simm.s32 $0x18A80;
	s30 =	sshrl.u32 s25, $0x1  }
0xd: {  	s31 =	sshrl.u32 s10, $0x2;
	s6 =	sadd.s32 s6, s4;
	s7 =	sadd.s32 s8, s7  }
0xe: {  	s4 =	sadd.s32 $0x19800, s0;
	s6 =	sshrl.u32 s6, $0x3;
	s7 =	sshrl.u32 s7, $0x3  }
0xf: {  	s9 =	sadd.s32 s6, s0;
	s6 =	ssub.s32 s25, s30;
	s0 =	sadd.s32 s7, s0  }
0x10: {  	s7 =	sadd.s32 s31, s2;
	s25 =	simm.s32 $0x18A00;
	s6 =	smax.u32 s6, $0x1  }
0x11: {  	s8 =	sadd.s32 $0x4A600, s9;
	s9 =	sadd.s32 $0x7B600, s9;
	s10 =	sadd.s32 $0xAC600, s0  }
.LBB2_1:
0x12: {  	s0 =	rddreg [dreg:$0x3]  }
0x13: {  	[tilespmem:s11], [sflag:$0x3] =	stream.linear.gather [hbm4b:s0+s3], $0x1100, $0x38;
	[tilespmem:$0x1DC00] =	vst v63  }
0x14: {  	_ =	swait.ge [sflag:s12], $0x1100  }
0x15: {  	[sflag:s12] =	ssyncset.done $0x0  }
0x16: {  	s31 =	sadd.s32 $0x0, s7;
	[sflag:s12] =	ssyncadd.s32 $0xFFFFEF00  }
0x17: {  	[spmem:s31] =	stream.linear.scatter [tilespmem:s11], [sflag:$0x3], $0x1100, $0x38;
	[tilespmem:$0x1DC00] =	vst v63  }
0x18: {  	s30 =	simm.s32 $0x4400;
	_ =	swait.ge [sflag:s12], $0x1100  }
.LBB2_2:
0x19: {  	s0 =	sshra.s32 s30, $0x2;
	[sflag:s12] =	ssyncset.done $0x0;
	p0 =	sne.s32 s30, $0x5D800  }
.Ltmp0:
0x1a: {  	s0 =	sadd.s32 s0, s7;
	[sflag:s12] =	ssyncadd.s32 $0xFFFFEF00;
	(pc) =	sbr.rel @p0 .LBB2_2-.Ltmp0, $3  }
0x1b: {  	[spmem:s0] =	stream.linear.scatter [tilespmem:s11], [sflag:$0x3], $0x1100, $0x38;
	[tilespmem:$0x1DC00] =	vst v63  }
0x1c: {  	s30 =	sadd.s32 $0x4400, s30;
	_ =	sdelay $0x1  }
0x1d: {  	_ =	swait.ge [sflag:s12], $0x1100  }
0x1e: {  	[sflag:s12] =	ssyncset.done $0x0  }
0x1f: {  	[sflag:s12] =	ssyncadd.s32 $0xFFFFEF00  }
0x20: {  	s0 =	sadd.s32 $0x0, s9;
	[bflag:$0x0] =	sbarrier.arrive $0xFFFF  }
0x21: {  	[tilespmem:s13], [sflag:$0x3] =	stream.linear.gather [hbm4b:s0+s3], $0x200, $0x38;
	[tilespmem:$0x1DC00] =	vst v63  }
0x22: {  	_ =	swait.ge [sflag:s12], $0x200  }
0x23: {  	[sflag:s12] =	ssyncset.done $0x0  }
0x24: {  	s5 =	sadd.s32 $0x0, s8;
	[sflag:s12] =	ssyncadd.s32 $0xFFFFFE00  }
0x25: {  	[tilespmem:s14], [sflag:$0x3] =	stream.linear.gather [hbm4b:s5+s3], $0x200, $0x38;
	[tilespmem:$0x1DC00] =	vst v63  }
0x26: {  	_ =	swait.ge [sflag:s12], $0x200  }
0x27: {  	[sflag:s12] =	ssyncset.done $0x0  }
0x28: {  	[sflag:s12] =	ssyncadd.s32 $0xFFFFFE00  }
0x29: {  	[tilespmem:s16], [sflag:$0x1] =	stream.indirect.gather [hbm4b:s4+s15], $0x20, s13, s15, $0xb8;
	[tilespmem:$0x1DC00] =	vst v63  }
0x2a: {  	_ = 	snop  }
0x2b: {  	[tilespmem:s18], [sflag:$0x1] =	stream.indirect.gather [hbm4b:s4+s15], $0x20, s17, s15, $0xb8;
	[tilespmem:$0x1DC00] =	vst v63  }
0x2c: {  	_ = 	snop  }
0x2d: {  	[tilespmem:s20], [sflag:$0x1] =	stream.indirect.gather [hbm4b:s4+s15], $0x20, s19, s15, $0xb8;
	[tilespmem:$0x1DC00] =	vst v63  }
0x2e: {  	_ = 	snop  }
0x2f: {  	[tilespmem:s22], [sflag:$0x1] =	stream.indirect.gather [hbm4b:s4+s15], $0x20, s21, s15, $0xb8;
	[tilespmem:$0x1DC00] =	vst v63  }
0x30: {  	_ =	swait.ge [sflag:s23], $0x1000  }
0x31: {  	[sflag:s23] =	ssyncset.done $0x0  }
0x32: {  	[sflag:s23] =	ssyncadd.s32 $0xFFFFF000  }
0x33: {  	_ =	swait.ge [sflag:s23], $0x1000  }
0x34: {  	[sflag:s23] =	ssyncset.done $0x0  }
0x35: {  	[sflag:s23] =	ssyncadd.s32 $0xFFFFF000  }
0x36: {  	_ =	swait.ge [sflag:s23], $0x1000  }
0x37: {  	[sflag:s23] =	ssyncset.done $0x0  }
0x38: {  	[sflag:s23] =	ssyncadd.s32 $0xFFFFF000  }
0x39: {  	_ =	swait.ge [sflag:s23], $0x1000  }
0x3a: {  	[sflag:s23] =	ssyncset.done $0x0  }
0x3b: {  	[sflag:s23] =	ssyncadd.s32 $0xFFFFF000  }
0x3c: {  	[spmem:s2] =	stream.indirect.scatter.add.f32 [tilespmem:s16], [sflag:$0x2], $0x20, s14, s15, $0xb8;
	[tilespmem:$0x1DC00] =	vst v63  }
0x3d: {  	_ = 	snop  }
0x3e: {  	[spmem:s2] =	stream.indirect.scatter.add.f32 [tilespmem:s18], [sflag:$0x2], $0x20, s24, s15, $0xb8;
	[tilespmem:$0x1DC00] =	vst v63  }
0x3f: {  	_ = 	snop  }
0x40: {  	[spmem:s2] =	stream.indirect.scatter.add.f32 [tilespmem:s20], [sflag:$0x2], $0x20, s25, s15, $0xb8;
	[tilespmem:$0x1DC00] =	vst v63  }
0x41: {  	_ = 	snop  }
0x42: {  	[spmem:s2] =	stream.indirect.scatter.add.f32 [tilespmem:s22], [sflag:$0x2], $0x20, s26, s15, $0xb8;
	[tilespmem:$0x1DC00] =	vst v63  }
0x43: {  	_ =	swait.ge [sflag:s28], $0x1000  }
0x44: {  	[sflag:s28] =	ssyncset.done $0x0  }
0x45: {  	[sflag:s28] =	ssyncadd.s32 $0xFFFFF000  }
0x46: {  	_ =	swait.ge [sflag:s28], $0x1000  }
0x47: {  	[sflag:s28] =	ssyncset.done $0x0  }
0x48: {  	[sflag:s28] =	ssyncadd.s32 $0xFFFFF000  }
0x49: {  	_ =	swait.ge [sflag:s28], $0x1000  }
0x4a: {  	[sflag:s28] =	ssyncset.done $0x0  }
0x4b: {  	[sflag:s28] =	ssyncadd.s32 $0xFFFFF000  }
0x4c: {  	_ =	swait.ge [sflag:s28], $0x1000  }
0x4d: {  	s30 =	simm.s32 $0x40;
	s31 =	simm.s32 $0x80;
	[sflag:s28] =	ssyncset.done $0x0  }
.LBB2_4:
0x4e: {  	s1 =	sadd.s32 s30, s9  }
0x4f: {  	[sflag:s28] =	ssyncadd.s32 $0xFFFFF000;
	s5 =	smov.u32 s31;
	s0 =	sadd.s32 $0x40, s31  }
0x50: {  	[tilespmem:s13], [sflag:$0x3] =	stream.linear.gather [hbm4b:s1+s3], $0x200, $0x38;
	[tilespmem:$0x1DC00] =	vst v63  }
0x51: {  	p0 =	sne.s32 s31, $0x1840;
	_ =	swait.ge [sflag:s12], $0x200  }
0x52: {  	[sflag:s12] =	ssyncset.done $0x0  }
0x53: {  	s1 =	sadd.s32 s30, s8;
	s30 =	smov.u32 s5;
	[sflag:s12] =	ssyncadd.s32 $0xFFFFFE00  }
0x54: {  	[tilespmem:s14], [sflag:$0x3] =	stream.linear.gather [hbm4b:s1+s3], $0x200, $0x38;
	[tilespmem:$0x1DC00] =	vst v63  }
0x55: {  	_ =	swait.ge [sflag:s12], $0x200  }
0x56: {  	[sflag:s12] =	ssyncset.done $0x0  }
0x57: {  	[sflag:s12] =	ssyncadd.s32 $0xFFFFFE00  }
0x58: {  	[tilespmem:s16], [sflag:$0x1] =	stream.indirect.gather [hbm4b:s4+s15], $0x20, s13, s15, $0xb8;
	[tilespmem:$0x1DC00] =	vst v63  }
0x59: {  	_ = 	snop  }
0x5a: {  	[tilespmem:s18], [sflag:$0x1] =	stream.indirect.gather [hbm4b:s4+s15], $0x20, s17, s15, $0xb8;
	[tilespmem:$0x1DC00] =	vst v63  }
0x5b: {  	_ = 	snop  }
0x5c: {  	[tilespmem:s20], [sflag:$0x1] =	stream.indirect.gather [hbm4b:s4+s15], $0x20, s19, s15, $0xb8;
	[tilespmem:$0x1DC00] =	vst v63  }
0x5d: {  	_ = 	snop  }
0x5e: {  	[tilespmem:s22], [sflag:$0x1] =	stream.indirect.gather [hbm4b:s4+s15], $0x20, s21, s15, $0xb8;
	[tilespmem:$0x1DC00] =	vst v63  }
0x5f: {  	_ =	swait.ge [sflag:s23], $0x1000  }
0x60: {  	[sflag:s23] =	ssyncset.done $0x0  }
0x61: {  	[sflag:s23] =	ssyncadd.s32 $0xFFFFF000  }
0x62: {  	_ =	swait.ge [sflag:s23], $0x1000  }
0x63: {  	[sflag:s23] =	ssyncset.done $0x0  }
0x64: {  	[sflag:s23] =	ssyncadd.s32 $0xFFFFF000  }
0x65: {  	_ =	swait.ge [sflag:s23], $0x1000  }
0x66: {  	[sflag:s23] =	ssyncset.done $0x0  }
0x67: {  	[sflag:s23] =	ssyncadd.s32 $0xFFFFF000  }
0x68: {  	_ =	swait.ge [sflag:s23], $0x1000  }
0x69: {  	[sflag:s23] =	ssyncset.done $0x0  }
0x6a: {  	[sflag:s23] =	ssyncadd.s32 $0xFFFFF000  }
0x6b: {  	[spmem:s2] =	stream.indirect.scatter.add.f32 [tilespmem:s16], [sflag:$0x2], $0x20, s14, s15, $0xb8;
	[tilespmem:$0x1DC00] =	vst v63  }
0x6c: {  	_ = 	snop  }
0x6d: {  	[spmem:s2] =	stream.indirect.scatter.add.f32 [tilespmem:s18], [sflag:$0x2], $0x20, s24, s15, $0xb8;
	[tilespmem:$0x1DC00] =	vst v63  }
0x6e: {  	_ = 	snop  }
0x6f: {  	[spmem:s2] =	stream.indirect.scatter.add.f32 [tilespmem:s20], [sflag:$0x2], $0x20, s25, s15, $0xb8;
	[tilespmem:$0x1DC00] =	vst v63  }
0x70: {  	_ = 	snop  }
0x71: {  	[spmem:s2] =	stream.indirect.scatter.add.f32 [tilespmem:s22], [sflag:$0x2], $0x20, s26, s15, $0xb8;
	[tilespmem:$0x1DC00] =	vst v63  }
0x72: {  	_ =	swait.ge [sflag:s28], $0x1000  }
0x73: {  	[sflag:s28] =	ssyncset.done $0x0  }
0x74: {  	[sflag:s28] =	ssyncadd.s32 $0xFFFFF000  }
0x75: {  	_ =	swait.ge [sflag:s28], $0x1000  }
0x76: {  	[sflag:s28] =	ssyncset.done $0x0  }
0x77: {  	[sflag:s28] =	ssyncadd.s32 $0xFFFFF000  }
.Ltmp1:
0x78: {  	_ =	swait.ge [sflag:s28], $0x1000;
	(pc) =	sbr.rel @p0 .LBB2_4-.Ltmp1, $4  }
0x79: {  	[sflag:s28] =	ssyncset.done $0x0  }
0x7a: {  	[sflag:s28] =	ssyncadd.s32 $0xFFFFF000  }
0x7b: {  	_ =	swait.ge [sflag:s28], $0x1000  }
0x7c: {  	s31 =	smov.u32 s0;
	[sflag:s28] =	ssyncset.done $0x0  }
0x7d: {  	s0 =	sadd.s32 s30, s9;
	[sflag:s28] =	ssyncadd.s32 $0xFFFFF000  }
0x7e: {  	[tilespmem:s13], [sflag:$0x3] =	stream.linear.gather [hbm4b:s0+s3], $0x200, $0x38;
	[tilespmem:$0x1DC00] =	vst v63  }
0x7f: {  	_ =	swait.ge [sflag:s12], $0x200  }
0x80: {  	[sflag:s12] =	ssyncset.done $0x0  }
0x81: {  	s1 =	sadd.s32 s30, s8;
	[sflag:s12] =	ssyncadd.s32 $0xFFFFFE00  }
0x82: {  	[tilespmem:s14], [sflag:$0x3] =	stream.linear.gather [hbm4b:s1+s3], $0x200, $0x38;
	[tilespmem:$0x1DC00] =	vst v63  }
0x83: {  	_ =	swait.ge [sflag:s12], $0x200  }
0x84: {  	[sflag:s12] =	ssyncset.done $0x0  }
0x85: {  	[sflag:s12] =	ssyncadd.s32 $0xFFFFFE00  }
0x86: {  	[tilespmem:s16], [sflag:$0x1] =	stream.indirect.gather [hbm4b:s4+s15], $0x20, s13, s15, $0xb8;
	[tilespmem:$0x1DC00] =	vst v63  }
0x87: {  	_ = 	snop  }
0x88: {  	[tilespmem:s18], [sflag:$0x1] =	stream.indirect.gather [hbm4b:s4+s15], $0x20, s17, s15, $0xb8;
	[tilespmem:$0x1DC00] =	vst v63  }
0x89: {  	_ = 	snop  }
0x8a: {  	[tilespmem:s20], [sflag:$0x1] =	stream.indirect.gather [hbm4b:s4+s15], $0x20, s19, s15, $0xb8;
	[tilespmem:$0x1DC00] =	vst v63  }
0x8b: {  	_ = 	snop  }
0x8c: {  	[tilespmem:s22], [sflag:$0x1] =	stream.indirect.gather [hbm4b:s4+s15], $0x20, s21, s15, $0xb8;
	[tilespmem:$0x1DC00] =	vst v63  }
0x8d: {  	_ =	swait.ge [sflag:s23], $0x1000  }
0x8e: {  	[sflag:s23] =	ssyncset.done $0x0  }
0x8f: {  	[sflag:s23] =	ssyncadd.s32 $0xFFFFF000  }
0x90: {  	_ =	swait.ge [sflag:s23], $0x1000  }
0x91: {  	[sflag:s23] =	ssyncset.done $0x0  }
0x92: {  	[sflag:s23] =	ssyncadd.s32 $0xFFFFF000  }
0x93: {  	_ =	swait.ge [sflag:s23], $0x1000  }
0x94: {  	[sflag:s23] =	ssyncset.done $0x0  }
0x95: {  	[sflag:s23] =	ssyncadd.s32 $0xFFFFF000  }
0x96: {  	_ =	swait.ge [sflag:s23], $0x1000  }
0x97: {  	[sflag:s23] =	ssyncset.done $0x0  }
0x98: {  	[sflag:s23] =	ssyncadd.s32 $0xFFFFF000  }
0x99: {  	[spmem:s2] =	stream.indirect.scatter.add.f32 [tilespmem:s16], [sflag:$0x2], $0x20, s14, s15, $0xb8;
	[tilespmem:$0x1DC00] =	vst v63  }
0x9a: {  	_ = 	snop  }
0x9b: {  	[spmem:s2] =	stream.indirect.scatter.add.f32 [tilespmem:s18], [sflag:$0x2], $0x20, s24, s15, $0xb8;
	[tilespmem:$0x1DC00] =	vst v63  }
0x9c: {  	_ = 	snop  }
0x9d: {  	[spmem:s2] =	stream.indirect.scatter.add.f32 [tilespmem:s20], [sflag:$0x2], $0x20, s25, s15, $0xb8;
	[tilespmem:$0x1DC00] =	vst v63  }
0x9e: {  	_ = 	snop  }
0x9f: {  	[spmem:s2] =	stream.indirect.scatter.add.f32 [tilespmem:s22], [sflag:$0x2], $0x20, s26, s15, $0xb8;
	[tilespmem:$0x1DC00] =	vst v63  }
0xa0: {  	_ =	swait.ge [sflag:s28], $0x1000  }
0xa1: {  	[sflag:s28] =	ssyncset.done $0x0  }
0xa2: {  	[sflag:s28] =	ssyncadd.s32 $0xFFFFF000  }
0xa3: {  	_ =	swait.ge [sflag:s28], $0x1000  }
0xa4: {  	[sflag:s28] =	ssyncset.done $0x0  }
0xa5: {  	[sflag:s28] =	ssyncadd.s32 $0xFFFFF000  }
0xa6: {  	_ =	swait.ge [sflag:s28], $0x1000  }
0xa7: {  	[sflag:s28] =	ssyncset.done $0x0  }
0xa8: {  	[sflag:s28] =	ssyncadd.s32 $0xFFFFF000  }
0xa9: {  	_ =	swait.ge [sflag:s28], $0x1000  }
0xaa: {  	[sflag:s28] =	ssyncset.done $0x0  }
0xab: {  	[sflag:s28] =	ssyncadd.s32 $0xFFFFF000  }
0xac: {  	[bflag:$0x0] =	sbarrier.arrive $0xFFFF  }
0xad: {  	[tilespmem:s11], [sflag:$0x3] =	stream.linear.gather [spmem:s7], $0x1100, $0x38;
	[tilespmem:$0x1DC00] =	vst v63  }
0xae: {  	_ =	swait.ge [sflag:s12], $0x1100  }
0xaf: {  	[sflag:s12] =	ssyncset.done $0x0  }
0xb0: {  	s5 =	sadd.s32 $0x0, s10;
	[sflag:s12] =	ssyncadd.s32 $0xFFFFEF00  }
0xb1: {  	[hbm4b:s5+s3] =	stream.linear.scatter [tilespmem:s11], [sflag:$0x3], $0x1100, $0x38;
	[tilespmem:$0x1DC00] =	vst v63  }
0xb2: {  	_ =	swait.ge [sflag:s12], $0x1100  }
0xb3: {  	s30 =	simm.s32 $0x220;
	s31 =	smov.u32 s7;
	[sflag:s12] =	ssyncset.done $0x0  }
.LBB2_6:
0xb4: {  	p0 =	sne.s32 s30, $0x2EC0;
	[sflag:s12] =	ssyncadd.s32 $0xFFFFEF00;
	s31 =	sadd.s32 $0x1100, s31  }
0xb5: {  	[tilespmem:s11], [sflag:$0x3] =	stream.linear.gather [spmem:s31], $0x1100, $0x38;
	[tilespmem:$0x1DC00] =	vst v63  }
0xb6: {  	s0 =	smov.u32 s30;
	s30 =	sadd.s32 $0x220, s30;
	_ =	swait.ge [sflag:s12], $0x1100  }
.Ltmp2:
0xb7: {  	[sflag:s12] =	ssyncset.done $0x0;
	(pc) =	sbr.rel @p0 .LBB2_6-.Ltmp2, $4  }
0xb8: {  	s0 =	sadd.s32 s0, s10;
	[sflag:s12] =	ssyncadd.s32 $0xFFFFEF00  }
0xb9: {  	[hbm4b:s0+s3] =	stream.linear.scatter [tilespmem:s11], [sflag:$0x3], $0x1100, $0x38;
	[tilespmem:$0x1DC00] =	vst v63  }
0xba: {  	_ =	swait.ge [sflag:s12], $0x1100  }
0xbb: {  	[sflag:s12] =	ssyncset.done $0x0  }
0xbc: {  	s29 =	sadd.s32 $0x1, s29  }
0xbd: {  	p0 =	sne.s32 s29, s6  }
.Ltmp3:
0xbe: {  	_ = 	snop;
	(pc) =	sbr.rel @p0 .LBB2_1-.Ltmp3, $2  }
0xbf: {  	_ =	sdelay $0x2  }
0xc0: {  	[sflag:s12] =	ssyncadd.s32 $0xFFFFEF00  }
0xc1: {  	_ =	sfence.sel $0x180000  }
0xc2: {  	[bflag:$0x0] =	sbarrier.arrive $0xFFFF  }
0xc3: {  	_ =	strace $0x90000047  }
0xc4: {  	s0 =	stileid.u32;
	[bflag:$0x2] =	sbarrier.arrive $0xFFFF  }
0xc5: {  	p0 =	sne.s32 s0, $0x0;
	s0 =	rddreg [dreg:$0x2]  }
0xc6: {  	s0 =	sadd.s32 @!p0 $0x100000, s0  }
0xc7: {  	[sflag:s0] =	ssyncadd.tile.s32 @!p0 $0x1;
	_ =	shalt  }
.Lfunc_end2:
_tile_overlayer_lowered:
.L_overlay_start_2:
0xc8: {  	(tag) =	ssettag $0x2  }
0xc9: {  	s0 =	rddreg [dreg:$0x0];
	s2 =	stileid.u32  }
0xca: {  	s1 =	rddreg [dreg:$0x1];
	p0 =	sne.s32 s2, $0x0  }
0xcb: {  	s3 =	rddreg [dreg:$0x2];
	[bflag:$0x3] =	sbarrier.arrive $0xFFFF;
	s2 =	simm.s32 @!p0 $0x1C03  }
0xcc: {  	[timem:s3], [sflag:s2] =	dma.local @!p0 [hbm:s0], s1  }
0xcd: {  	s0 =	simm.s32 @!p0 $0x3  }
0xce: {  	_ =	swait.ge @!p0 [sflag:s0], s1  }
0xcf: {  	s1 =	ssub.s32 @!p0 $0x0, s1;
	[sflag:s0] =	ssyncset.done @!p0 $0x0  }
0xd0: {  	[sflag:s0] =	ssyncadd.s32 @!p0 s1  }
0xd1: {  	[bflag:$0x3] =	sbarrier.arrive $0xFFFF  }
0xd2: {  	_ =	shalt  }

// kernel: kernel.13.cloned.1.call-start
scs
__scs_entry_jumppad:
0x0: {  	(pc) =	sbr.rel $0x88, $3  }
0x1: {  	(tag) =	ssettag $0x0;
	lr =	simm.s32 $0x1  }
0x2: {  	[smem:$0x3F9B] =	sst lr;
	_ =	strace $0xD0000000  }
0x3: {  	_ = 	snop  }
0x4: {  	_ = 	snop  }
0x5: {  	_ = 	snop  }
0x6: {  	_ = 	snop  }
0x7: {  	_ = 	snop  }
__scs_overlays_trampoline_lowered:
0x8: {  	[smem:$0x3FAA] =	sst s0  }
0x9: {  	[smem:$0x3FAB] =	sst s1  }
0xa: {  	[smem:$0x3FAC] =	sst s2  }
0xb: {  	[smem:$0x3FAD] =	sst s3  }
0xc: {  	[smem:$0x3FAE] =	sst s4  }
0xd: {  	[smem:$0x3FAF] =	sst s5  }
0xe: {  	[smem:$0x3FB0] =	sst s6  }
0xf: {  	[smem:$0x3FB1] =	sst s7  }
0x10: {  	[smem:$0x3FB2] =	sst s8  }
0x11: {  	[smem:$0x3FB3] =	sst s9;
	s0 =	simm.s32 @!p0 $0x0  }
0x12: {  	s1 =	sld [smem:$0x3F99];
	s0 =	simm.s32 @p0 $0x1  }
0x13: {  	[smem:$0x3FB4] =	sst s0;
	s0 =	simm.s32 @!p1 $0x0  }
0x14: {  	s2 =	sld [smem:$0x3F98];
	s0 =	simm.s32 @p1 $0x1  }
0x15: {  	[smem:$0x3FB5] =	sst s0;
	s0 =	simm.s32 @!p2 $0x0  }
0x16: {  	s3 =	sld [smem:$0x3FDB];
	s0 =	simm.s32 @p2 $0x1  }
0x17: {  	s4 =	simm.s32 $0x1BF5;
	[smem:$0x3FB7] =	sst s0  }
0x18: {  	s0 =	sld [smem:$0x3F9A];
	_ =	swait.ge [sflag:s4], $0x0  }
0x19: {  	s7 =	sld [smem:$0x3F9B]  }
0x1a: {  	s8 =	sadd.s32 $0xFFFFE003, lr  }
0x1b: {  	s9 =	sadd.s32 $0xFFFFFEF7, lr;
	s5 =	simm.s32 $0xFFFFFFFF;
	p2 =	slt.u32 s8, $0xFFFFF086  }
0x1c: {  	p1 =	slt.u32 s9, $0xF7A;
	s5 =	simm.s32 @!p2 $0x0  }
0x1d: {  	s5 =	simm.s32 @p1 $0x1;
	p0 =	seq.s32 s7, s2  }
0x1e: {  	s7 =	smul.u32 @!p0 $0xF7A, s2;
	p2 =	seq.s32 @!p0 s5, $0x0  }
0x1f: {  	s9 =	smul.u32 $0xF7A, s1;
	s8 =	simm.s32 @!p0 $0x1BF5;
	p2 =	por !p2, p0  }
0x20: {  	[sflag:s8] =	ssyncset.s32 @!p0 $0xFFFFF086;
	s6 =	sadd.s32 @!p0 s3, s7;
	s7 =	simm.s32 @!p0 $0x108  }
0x21: {  	s3 =	sadd.s32 s3, s9;
	s6 =	sadd.s32 @!p0 $0x88, s6;
	s7 =	simm.s32 @p2 $0x1082  }
0x22: {  	[simem:s7], [sflag:s8] =	dma.local @!p0 [hbm:s6], $0xF7A  }
0x23: {  	s9 =	sor.u32 $0xD0000000, s2;
	s6 =	simm.s32 $0x108;
	_ =	swait.ge @!p0 [sflag:s8], $0x0  }
0x24: {  	s3 =	sadd.s32 $0x88, s3;
	s6 =	simm.s32 @!p1 $0x1082;
	[sflag:s4] =	ssyncset.s32 $0xFFFFF086  }
0x25: {  	[simem:s6], [sflag:s4] =	dma.local [hbm:s3], $0xF7A  }
0x26: {  	[smem:$0x3F9B] =	sst s1;
	(tag) =	ssettag s2;
	_ =	strace s9  }
0x27: {  	s1 =	sld [smem:$0x3FAB]  }
0x28: {  	s2 =	sld [smem:$0x3FAC]  }
0x29: {  	s4 =	sld [smem:$0x3FAE]  }
0x2a: {  	p0 =	seq.s32 s5, $0x0;
	s5 =	sld [smem:$0x3FAF]  }
0x2b: {  	s6 =	sld [smem:$0x3FB0]  }
0x2c: {  	s7 =	sld [smem:$0x3FB1]  }
0x2d: {  	s3 =	simm.s32 $0x108;
	s8 =	sld [smem:$0x3FB2]  }
0x2e: {  	s3 =	simm.s32 @!p0 $0x1082;
	s9 =	sld [smem:$0x3FB3]  }
0x2f: {  	lr =	sadd.s32 s0, s3;
	s0 =	sld [smem:$0x3FAA]  }
0x30: {  	s3 =	sld [smem:$0x3FAD]  }
0x31: {  	[smem:$0x3FB6] =	sst s10  }
0x32: {  	s10 =	sld [smem:$0x3FB4];
	_ =	sdelay $0x3  }
0x33: {  	p0 =	seq.s32 s10, $0x1;
	s10 =	sld [smem:$0x3FB6];
	_ =	sdelay $0x3  }
0x34: {  	[smem:$0x3FB6] =	sst s10  }
0x35: {  	s10 =	sld [smem:$0x3FB5];
	_ =	sdelay $0x3  }
0x36: {  	p1 =	seq.s32 s10, $0x1;
	s10 =	sld [smem:$0x3FB6];
	_ =	sdelay $0x3  }
0x37: {  	[smem:$0x3FB6] =	sst s10  }
0x38: {  	s10 =	sld [smem:$0x3FB7]  }
0x39: {  	_ = 	snop;
	(pc) =	sbr.ind lr, $3  }
0x3a: {  	_ = 	snop  }
0x3b: {  	_ = 	snop  }
0x3c: {  	p2 =	seq.s32 s10, $0x1;
	s10 =	sld [smem:$0x3FB6]  }
0x3d: {  	_ =	shalt  }
0x3e: {  	_ =	shalt  }
0x3f: {  	_ =	shalt  }
0x40: {  	_ =	shalt  }
0x41: {  	_ =	shalt  }
0x42: {  	_ =	shalt  }
0x43: {  	_ =	shalt  }
0x44: {  	_ =	shalt  }
0x45: {  	_ =	shalt  }
0x46: {  	_ =	shalt  }
0x47: {  	_ =	shalt  }
0x48: {  	_ =	shalt  }
0x49: {  	_ =	shalt  }
0x4a: {  	_ =	shalt  }
0x4b: {  	_ =	shalt  }
0x4c: {  	_ =	shalt  }
0x4d: {  	_ =	shalt  }
0x4e: {  	_ =	shalt  }
0x4f: {  	_ =	shalt  }
0x50: {  	_ =	shalt  }
0x51: {  	_ =	shalt  }
0x52: {  	_ =	shalt  }
0x53: {  	_ =	shalt  }
0x54: {  	_ =	shalt  }
0x55: {  	_ =	shalt  }
0x56: {  	_ =	shalt  }
0x57: {  	_ =	shalt  }
0x58: {  	_ =	shalt  }
0x59: {  	_ =	shalt  }
0x5a: {  	_ =	shalt  }
0x5b: {  	_ =	shalt  }
0x5c: {  	_ =	shalt  }
0x5d: {  	_ =	shalt  }
0x5e: {  	_ =	shalt  }
0x5f: {  	_ =	shalt  }
0x60: {  	_ =	shalt  }
0x61: {  	_ =	shalt  }
0x62: {  	_ =	shalt  }
0x63: {  	_ =	shalt  }
0x64: {  	_ =	shalt  }
0x65: {  	_ =	shalt  }
0x66: {  	_ =	shalt  }
0x67: {  	_ =	shalt  }
0x68: {  	_ =	shalt  }
0x69: {  	_ =	shalt  }
0x6a: {  	_ =	shalt  }
0x6b: {  	_ =	shalt  }
0x6c: {  	_ =	shalt  }
0x6d: {  	_ =	shalt  }
0x6e: {  	_ =	shalt  }
0x6f: {  	_ =	shalt  }
0x70: {  	_ =	shalt  }
0x71: {  	_ =	shalt  }
0x72: {  	_ =	shalt  }
0x73: {  	_ =	shalt  }
0x74: {  	_ =	shalt  }
0x75: {  	_ =	shalt  }
0x76: {  	_ =	shalt  }
0x77: {  	_ =	shalt  }
0x78: {  	_ =	shalt  }
0x79: {  	_ =	shalt  }
0x7a: {  	_ =	shalt  }
0x7b: {  	_ =	shalt  }
0x7c: {  	_ =	shalt  }
0x7d: {  	_ =	shalt  }
0x7e: {  	_ =	shalt  }
0x7f: {  	_ =	shalt  }
0x80: {  	_ =	shalt  }
0x81: {  	_ =	shalt  }
0x82: {  	_ =	shalt  }
0x83: {  	_ =	shalt  }
0x84: {  	_ =	shalt  }
0x85: {  	_ =	shalt  }
0x86: {  	_ =	shalt  }
0x87: {  	_ =	shalt  }
.Lfunc_end0:
.L_simem_size_0:
called_computation.2_lowered:
.L_overlay_start_0:
0x88: {  	s2 =	sld [smem:$0x3FD9]  }
0x89: {  	s3 =	sld [smem:$0x3FFE];
	_ =	sdelay $0x1  }
0x8a: {  	s1 =	srdreg.scid  }
0x8b: {  	s0 =	sand.u32 $0x1, s1  }
0x8c: {  	s17 =	sshll.u32 s0, $0xA;
	s2 =	sadd.s32 s3, s2  }
0x8d: {  	s2 =	sadd.s32 s2, s17  }
0x8e: {  	[smem:$0x3FC2] =	sst s2  }
0x8f: {  	_ = 	snop  }
0x90: {  	s2 =	sld [smem:$0x3FD0];
	(tm) =	ssettm $0x1  }
0x91: {  	s18 =	sld [smem:$0x3FFB];
	_ =	sdelay $0x3  }
0x92: {  	_ =	strace s18  }
0x93: {  	s3 =	sld [smem:$0x3FFC];
	_ =	sdelay $0x3  }
0x94: {  	_ =	strace s3  }
0x95: {  	s3 =	sld [smem:$0x3FFD];
	_ =	sdelay $0x3  }
0x96: {  	_ =	strace s3  }
0x97: {  	_ =	strace $0x8FFFFFFF  }
0x98: {  	s19 =	sld [smem:$0x3FDB];
	_ =	sdelay $0x1  }
0x99: {  	s4 =	simm.s32 $_scs_section_size  }
0x9a: {  	s5 =	simm.s32 $_size__tile_overlayer_lowered;
	s6 =	simm.s32 $_tile_overlayer_lowered  }
0x9b: {  	s22 =	simm.s32 $0x1BFF;
	s21 =	sshll.u32 s6, $0x1;
	s3 =	sadd.s32 s4, s19  }
0x9c: {  	s7 =	simm.s32 $0x0;
	s20 =	sshll.u32 s5, $0x1;
	s5 =	sadd.s32 s21, s3  }
0x9d: {  	[timem:s7], [sflag:s22] =	dma.local [hbm:s5], s20  }
0x9e: {  	_ =	swait.ge [sflag:s22], s20  }
0x9f: {  	s4 =	ssub.s32 $0x0, s20;
	[sflag:s22] =	ssyncset.done $0x0  }
0xa0: {  	[sflag:s22] =	ssyncadd.s32 s4;
	_ =	sdelay $0x1  }
0xa1: {  	s23 =	simm.s32 $0x1B8B  }
0xa2: {  	_ =	swait.ge [sflag:s23], $0x1  }
0xa3: {  	[sflag:s23] =	ssyncset.done $0x0  }
0xa4: {  	s25 =	simm.s32 $0x1B8E;
	s24 =	sld [smem:$0x3FFE];
	[sflag:s23] =	ssyncadd.s32 $0xFFFFFFFF  }
0xa5: {  	s26 =	simm.s32 $execute0_lowered;
	[smem:$0x3FD2] =	sst s25  }
0xa6: {  	s5 =	sshll.u32 s26, $0x1;
	_ =	strace $0x8000004C;
	[dreg:$0x1] =	wrdreg $0xFFFFFFFF  }
0xa7: {  	s28 =	simm.s32 $_size_execute0_lowered;
	s3 =	sadd.s32 s3, s5;
	[dreg:$0x0] =	wrdreg $0x0  }
0xa8: {  	s5 =	sshll.u32 s28, $0x1;
	[dreg:$0x2] =	wrdreg s3  }
0xa9: {  	[dreg:$0x3] =	wrdreg s5  }
0xaa: {  	[dreg:$0x4] =	wrdreg $0xC0  }
0xab: {  	_ =	task [dreg:s7], $0x5FFFF  }
0xac: {  	[dreg:$0x1] =	wrdreg $0xFFFFFFFF  }
0xad: {  	[dreg:$0x0] =	wrdreg $0x60  }
0xae: {  	[dreg:$0x2] =	wrdreg s2  }
0xaf: {  	[dreg:$0x3] =	wrdreg s24  }
0xb0: {  	[dreg:$0x4] =	wrdreg $0x0  }
0xb1: {  	[dreg:$0x5] =	wrdreg $0x9  }
0xb2: {  	_ =	task.clear_ibuf [dreg:s7], $0x6FFFF;
	_ =	strace $0x9000004C  }
0xb3: {  	s29 =	simm.s32 $0x9;
	_ =	strace $0x8000004E  }
0xb4: {  	_ =	swait.ge [sflag:s29], $0x1  }
0xb5: {  	[sflag:s29] =	ssyncadd.s32 $0xFFFFFFFF  }
0xb6: {  	_ =	strace $0x9000004E  }
0xb7: {  	_ =	sfence  }
0xb8: {  	s30 =	sld [smem:$0x0];
	_ =	sdelay $0x2  }
0xb9: {  	s31 =	sshll.u32 s1, $0xD;
	s1 =	sshrl.u32 s1, $0x2  }
0xba: {  	s3 =	sand.u32 $0x4000, s31;
	s1 =	sadd.s32 s1, s30  }
0xbb: {  	s0 =	sor.u32 s3, s0;
	s1 =	sshll.u32 s1, $0x11  }
0xbc: {  	s0 =	sor.u32 s1, s0  }
0xbd: {  	s0 =	sadd.s32 $0x8F2B, s0  }
0xbe: {  	[sflag:s0] =	ssyncadd.remote.s32 $0x1  }
0xbf: {  	_ =	sfence.sel $0xFFFF  }
0xc0: {  	[dreg:$0x0] =	wrdreg $0xFFFFFFFF;
	(pc) =	sbr.abs _section_cstart, $3  }
0xc1: {  	[dreg:$0x1] =	wrdreg $0xFFFFFFFF  }
0xc2: {  	_ =	task.clear_ibuf [dreg:s7], $0x2FFFF;
	_ =	strace $0x9FFFFFFF  }
0xc3: {  	(tm) =	ssettm $0x7FFFFFFF  }
tec
execute0_lowered:
.L_overlay_start_1:
0x0: {  	(tag) =	ssettag $0x1  }
0x1: {  	s1 =	rddreg [dreg:$0x0];
	s0 =	srdreg.scid  }
0x2: {  	s2 =	rddreg [dreg:$0x1];
	s23 =	stileid.u32  }
0x3: {  	s3 =	rddreg [dreg:$0x2];
	s4 =	simm.s32 $0x0;
	s11 =	simm.s32 $0x1CB00  }
0x4: {  	s12 =	simm.s32 $0x3;
	s13 =	simm.s32 $0x18700;
	s14 =	simm.s32 $0x18900  }
0x5: {  	s15 =	simm.s32 $0x80;
	s16 =	simm.s32 $0x18B00;
	s17 =	simm.s32 $0x18780  }
0x6: {  	s18 =	simm.s32 $0x19B00;
	s19 =	simm.s32 $0x18800;
	s20 =	simm.s32 $0x1AB00  }
0x7: {  	s21 =	simm.s32 $0x18880;
	s22 =	simm.s32 $0x1BB00;
	s7 =	smul.u32 $0xC400, s23  }
0x8: {  	s28 =	simm.s32 $0x2;
	s29 =	simm.s32 $0x0;
	s8 =	smul.u32 $0x18700, s23  }
0x9: {  	s5 =	sand.u32 $0x1, s0;
	[smem:$0x7FF] =	sst s4;
	s10 =	smul.u32 $0x61C00, s23  }
0xa: {  	s26 =	sadd.s32 $0x1000, s2;
	s23 =	simm.s32 $0x1;
	s6 =	smul.u32 $0xC4000, s5  }
0xb: {  	s24 =	smul.u32 $0x187000, s5;
	_ =	strace $0x8000004D;
	s25 =	ssub.s32 $0x2, s5  }
0xc: {  	[dreg:$0x4] =	wrdreg s26;
	s26 =	simm.s32 $0x18A80;
	s30 =	sshrl.u32 s25, $0x1  }
0xd: {  	s31 =	sshrl.u32 s10, $0x2;
	s6 =	sadd.s32 s7, s6;
	s7 =	sadd.s32 s8, s24  }
0xe: {  	s24 =	simm.s32 $0x18980;
	s6 =	sshrl.u32 s6, $0x3;
	s7 =	sshrl.u32 s7, $0x3  }
0xf: {  	s9 =	sadd.s32 s6, s2;
	s6 =	ssub.s32 s25, s30;
	s2 =	sadd.s32 s7, s2  }
0x10: {  	s7 =	sadd.s32 s31, s3;
	s25 =	simm.s32 $0x18A00;
	s6 =	smax.u32 s6, $0x1  }
0x11: {  	s8 =	sadd.s32 $0x4A600, s9;
	s9 =	sadd.s32 $0x7B600, s9;
	s10 =	sadd.s32 $0xAC600, s2  }
.LBB2_1:
0x12: {  	s0 =	rddreg [dreg:$0x4]  }
0x13: {  	[tilespmem:s11], [sflag:$0x3] =	stream.linear.gather [hbm4b:s0+s4], $0x1100, $0x38;
	[tilespmem:$0x1DC00] =	vst v63  }
0x14: {  	_ =	swait.ge [sflag:s12], $0x1100  }
0x15: {  	[sflag:s12] =	ssyncset.done $0x0  }
0x16: {  	s2 =	sadd.s32 $0x0, s7;
	[sflag:s12] =	ssyncadd.s32 $0xFFFFEF00  }
0x17: {  	[spmem:s2] =	stream.linear.scatter [tilespmem:s11], [sflag:$0x3], $0x1100, $0x38;
	[tilespmem:$0x1DC00] =	vst v63  }
0x18: {  	s30 =	simm.s32 $0x4400;
	_ =	swait.ge [sflag:s12], $0x1100  }
.LBB2_2:
0x19: {  	s2 =	sshra.s32 s30, $0x2;
	[sflag:s12] =	ssyncset.done $0x0;
	p0 =	sne.s32 s30, $0x5D800  }
.Ltmp0:
0x1a: {  	s2 =	sadd.s32 s2, s7;
	[sflag:s12] =	ssyncadd.s32 $0xFFFFEF00;
	(pc) =	sbr.rel @p0 .LBB2_2-.Ltmp0, $3  }
0x1b: {  	[spmem:s2] =	stream.linear.scatter [tilespmem:s11], [sflag:$0x3], $0x1100, $0x38;
	[tilespmem:$0x1DC00] =	vst v63  }
0x1c: {  	s30 =	sadd.s32 $0x4400, s30;
	_ =	sdelay $0x1  }
0x1d: {  	_ =	swait.ge [sflag:s12], $0x1100  }
0x1e: {  	[sflag:s12] =	ssyncset.done $0x0  }
0x1f: {  	[sflag:s12] =	ssyncadd.s32 $0xFFFFEF00  }
0x20: {  	s2 =	sadd.s32 $0x0, s9;
	[bflag:$0x0] =	sbarrier.arrive $0xFFFF  }
0x21: {  	[tilespmem:s13], [sflag:$0x3] =	stream.linear.gather [hbm4b:s2+s4], $0x200, $0x38;
	[tilespmem:$0x1DC00] =	vst v63  }
0x22: {  	_ =	swait.ge [sflag:s12], $0x200  }
0x23: {  	[sflag:s12] =	ssyncset.done $0x0  }
0x24: {  	s5 =	sadd.s32 $0x0, s8;
	[sflag:s12] =	ssyncadd.s32 $0xFFFFFE00  }
0x25: {  	[tilespmem:s14], [sflag:$0x3] =	stream.linear.gather [hbm4b:s5+s4], $0x200, $0x38;
	[tilespmem:$0x1DC00] =	vst v63  }
0x26: {  	_ =	swait.ge [sflag:s12], $0x200  }
0x27: {  	[sflag:s12] =	ssyncset.done $0x0  }
0x28: {  	[sflag:s12] =	ssyncadd.s32 $0xFFFFFE00  }
0x29: {  	[tilespmem:s16], [sflag:$0x1] =	stream.indirect.gather [hbm4b:s1+s15], $0x20, s13, s15, $0xb8;
	[tilespmem:$0x1DC00] =	vst v63  }
0x2a: {  	_ = 	snop  }
0x2b: {  	[tilespmem:s18], [sflag:$0x1] =	stream.indirect.gather [hbm4b:s1+s15], $0x20, s17, s15, $0xb8;
	[tilespmem:$0x1DC00] =	vst v63  }
0x2c: {  	_ = 	snop  }
0x2d: {  	[tilespmem:s20], [sflag:$0x1] =	stream.indirect.gather [hbm4b:s1+s15], $0x20, s19, s15, $0xb8;
	[tilespmem:$0x1DC00] =	vst v63  }
0x2e: {  	_ = 	snop  }
0x2f: {  	[tilespmem:s22], [sflag:$0x1] =	stream.indirect.gather [hbm4b:s1+s15], $0x20, s21, s15, $0xb8;
	[tilespmem:$0x1DC00] =	vst v63  }
0x30: {  	_ =	swait.ge [sflag:s23], $0x1000  }
0x31: {  	[sflag:s23] =	ssyncset.done $0x0  }
0x32: {  	[sflag:s23] =	ssyncadd.s32 $0xFFFFF000  }
0x33: {  	_ =	swait.ge [sflag:s23], $0x1000  }
0x34: {  	[sflag:s23] =	ssyncset.done $0x0  }
0x35: {  	[sflag:s23] =	ssyncadd.s32 $0xFFFFF000  }
0x36: {  	_ =	swait.ge [sflag:s23], $0x1000  }
0x37: {  	[sflag:s23] =	ssyncset.done $0x0  }
0x38: {  	[sflag:s23] =	ssyncadd.s32 $0xFFFFF000  }
0x39: {  	_ =	swait.ge [sflag:s23], $0x1000  }
0x3a: {  	[sflag:s23] =	ssyncset.done $0x0  }
0x3b: {  	[sflag:s23] =	ssyncadd.s32 $0xFFFFF000  }
0x3c: {  	[spmem:s3] =	stream.indirect.scatter.add.f32 [tilespmem:s16], [sflag:$0x2], $0x20, s14, s15, $0xb8;
	[tilespmem:$0x1DC00] =	vst v63  }
0x3d: {  	_ = 	snop  }
0x3e: {  	[spmem:s3] =	stream.indirect.scatter.add.f32 [tilespmem:s18], [sflag:$0x2], $0x20, s24, s15, $0xb8;
	[tilespmem:$0x1DC00] =	vst v63  }
0x3f: {  	_ = 	snop  }
0x40: {  	[spmem:s3] =	stream.indirect.scatter.add.f32 [tilespmem:s20], [sflag:$0x2], $0x20, s25, s15, $0xb8;
	[tilespmem:$0x1DC00] =	vst v63  }
0x41: {  	_ = 	snop  }
0x42: {  	[spmem:s3] =	stream.indirect.scatter.add.f32 [tilespmem:s22], [sflag:$0x2], $0x20, s26, s15, $0xb8;
	[tilespmem:$0x1DC00] =	vst v63  }
0x43: {  	_ =	swait.ge [sflag:s28], $0x1000  }
0x44: {  	[sflag:s28] =	ssyncset.done $0x0  }
0x45: {  	[sflag:s28] =	ssyncadd.s32 $0xFFFFF000  }
0x46: {  	_ =	swait.ge [sflag:s28], $0x1000  }
0x47: {  	[sflag:s28] =	ssyncset.done $0x0  }
0x48: {  	[sflag:s28] =	ssyncadd.s32 $0xFFFFF000  }
0x49: {  	_ =	swait.ge [sflag:s28], $0x1000  }
0x4a: {  	[sflag:s28] =	ssyncset.done $0x0  }
0x4b: {  	[sflag:s28] =	ssyncadd.s32 $0xFFFFF000  }
0x4c: {  	_ =	swait.ge [sflag:s28], $0x1000  }
0x4d: {  	s30 =	simm.s32 $0x40;
	s31 =	simm.s32 $0x80;
	[sflag:s28] =	ssyncset.done $0x0  }
.LBB2_4:
0x4e: {  	s0 =	sadd.s32 s30, s9  }
0x4f: {  	[sflag:s28] =	ssyncadd.s32 $0xFFFFF000;
	s5 =	smov.u32 s31;
	s2 =	sadd.s32 $0x40, s31  }
0x50: {  	[tilespmem:s13], [sflag:$0x3] =	stream.linear.gather [hbm4b:s0+s4], $0x200, $0x38;
	[tilespmem:$0x1DC00] =	vst v63  }
0x51: {  	p0 =	sne.s32 s31, $0x1840;
	_ =	swait.ge [sflag:s12], $0x200  }
0x52: {  	[sflag:s12] =	ssyncset.done $0x0  }
0x53: {  	s0 =	sadd.s32 s30, s8;
	s30 =	smov.u32 s5;
	[sflag:s12] =	ssyncadd.s32 $0xFFFFFE00  }
0x54: {  	[tilespmem:s14], [sflag:$0x3] =	stream.linear.gather [hbm4b:s0+s4], $0x200, $0x38;
	[tilespmem:$0x1DC00] =	vst v63  }
0x55: {  	_ =	swait.ge [sflag:s12], $0x200  }
0x56: {  	[sflag:s12] =	ssyncset.done $0x0  }
0x57: {  	[sflag:s12] =	ssyncadd.s32 $0xFFFFFE00  }
0x58: {  	[tilespmem:s16], [sflag:$0x1] =	stream.indirect.gather [hbm4b:s1+s15], $0x20, s13, s15, $0xb8;
	[tilespmem:$0x1DC00] =	vst v63  }
0x59: {  	_ = 	snop  }
0x5a: {  	[tilespmem:s18], [sflag:$0x1] =	stream.indirect.gather [hbm4b:s1+s15], $0x20, s17, s15, $0xb8;
	[tilespmem:$0x1DC00] =	vst v63  }
0x5b: {  	_ = 	snop  }
0x5c: {  	[tilespmem:s20], [sflag:$0x1] =	stream.indirect.gather [hbm4b:s1+s15], $0x20, s19, s15, $0xb8;
	[tilespmem:$0x1DC00] =	vst v63  }
0x5d: {  	_ = 	snop  }
0x5e: {  	[tilespmem:s22], [sflag:$0x1] =	stream.indirect.gather [hbm4b:s1+s15], $0x20, s21, s15, $0xb8;
	[tilespmem:$0x1DC00] =	vst v63  }
0x5f: {  	_ =	swait.ge [sflag:s23], $0x1000  }
0x60: {  	[sflag:s23] =	ssyncset.done $0x0  }
0x61: {  	[sflag:s23] =	ssyncadd.s32 $0xFFFFF000  }
0x62: {  	_ =	swait.ge [sflag:s23], $0x1000  }
0x63: {  	[sflag:s23] =	ssyncset.done $0x0  }
0x64: {  	[sflag:s23] =	ssyncadd.s32 $0xFFFFF000  }
0x65: {  	_ =	swait.ge [sflag:s23], $0x1000  }
0x66: {  	[sflag:s23] =	ssyncset.done $0x0  }
0x67: {  	[sflag:s23] =	ssyncadd.s32 $0xFFFFF000  }
0x68: {  	_ =	swait.ge [sflag:s23], $0x1000  }
0x69: {  	[sflag:s23] =	ssyncset.done $0x0  }
0x6a: {  	[sflag:s23] =	ssyncadd.s32 $0xFFFFF000  }
0x6b: {  	[spmem:s3] =	stream.indirect.scatter.add.f32 [tilespmem:s16], [sflag:$0x2], $0x20, s14, s15, $0xb8;
	[tilespmem:$0x1DC00] =	vst v63  }
0x6c: {  	_ = 	snop  }
0x6d: {  	[spmem:s3] =	stream.indirect.scatter.add.f32 [tilespmem:s18], [sflag:$0x2], $0x20, s24, s15, $0xb8;
	[tilespmem:$0x1DC00] =	vst v63  }
0x6e: {  	_ = 	snop  }
0x6f: {  	[spmem:s3] =	stream.indirect.scatter.add.f32 [tilespmem:s20], [sflag:$0x2], $0x20, s25, s15, $0xb8;
	[tilespmem:$0x1DC00] =	vst v63  }
0x70: {  	_ = 	snop  }
0x71: {  	[spmem:s3] =	stream.indirect.scatter.add.f32 [tilespmem:s22], [sflag:$0x2], $0x20, s26, s15, $0xb8;
	[tilespmem:$0x1DC00] =	vst v63  }
0x72: {  	_ =	swait.ge [sflag:s28], $0x1000  }
0x73: {  	[sflag:s28] =	ssyncset.done $0x0  }
0x74: {  	[sflag:s28] =	ssyncadd.s32 $0xFFFFF000  }
0x75: {  	_ =	swait.ge [sflag:s28], $0x1000  }
0x76: {  	[sflag:s28] =	ssyncset.done $0x0  }
0x77: {  	[sflag:s28] =	ssyncadd.s32 $0xFFFFF000  }
.Ltmp1:
0x78: {  	_ =	swait.ge [sflag:s28], $0x1000;
	(pc) =	sbr.rel @p0 .LBB2_4-.Ltmp1, $4  }
0x79: {  	[sflag:s28] =	ssyncset.done $0x0  }
0x7a: {  	[sflag:s28] =	ssyncadd.s32 $0xFFFFF000  }
0x7b: {  	_ =	swait.ge [sflag:s28], $0x1000  }
0x7c: {  	s31 =	smov.u32 s2;
	[sflag:s28] =	ssyncset.done $0x0  }
0x7d: {  	s0 =	sadd.s32 s30, s9;
	[sflag:s28] =	ssyncadd.s32 $0xFFFFF000  }
0x7e: {  	[tilespmem:s13], [sflag:$0x3] =	stream.linear.gather [hbm4b:s0+s4], $0x200, $0x38;
	[tilespmem:$0x1DC00] =	vst v63  }
0x7f: {  	_ =	swait.ge [sflag:s12], $0x200  }
0x80: {  	[sflag:s12] =	ssyncset.done $0x0  }
0x81: {  	s2 =	sadd.s32 s30, s8;
	[sflag:s12] =	ssyncadd.s32 $0xFFFFFE00  }
0x82: {  	[tilespmem:s14], [sflag:$0x3] =	stream.linear.gather [hbm4b:s2+s4], $0x200, $0x38;
	[tilespmem:$0x1DC00] =	vst v63  }
0x83: {  	_ =	swait.ge [sflag:s12], $0x200  }
0x84: {  	[sflag:s12] =	ssyncset.done $0x0  }
0x85: {  	[sflag:s12] =	ssyncadd.s32 $0xFFFFFE00  }
0x86: {  	[tilespmem:s16], [sflag:$0x1] =	stream.indirect.gather [hbm4b:s1+s15], $0x20, s13, s15, $0xb8;
	[tilespmem:$0x1DC00] =	vst v63  }
0x87: {  	_ = 	snop  }
0x88: {  	[tilespmem:s18], [sflag:$0x1] =	stream.indirect.gather [hbm4b:s1+s15], $0x20, s17, s15, $0xb8;
	[tilespmem:$0x1DC00] =	vst v63  }
0x89: {  	_ = 	snop  }
0x8a: {  	[tilespmem:s20], [sflag:$0x1] =	stream.indirect.gather [hbm4b:s1+s15], $0x20, s19, s15, $0xb8;
	[tilespmem:$0x1DC00] =	vst v63  }
0x8b: {  	_ = 	snop  }
0x8c: {  	[tilespmem:s22], [sflag:$0x1] =	stream.indirect.gather [hbm4b:s1+s15], $0x20, s21, s15, $0xb8;
	[tilespmem:$0x1DC00] =	vst v63  }
0x8d: {  	_ =	swait.ge [sflag:s23], $0x1000  }
0x8e: {  	[sflag:s23] =	ssyncset.done $0x0  }
0x8f: {  	[sflag:s23] =	ssyncadd.s32 $0xFFFFF000  }
0x90: {  	_ =	swait.ge [sflag:s23], $0x1000  }
0x91: {  	[sflag:s23] =	ssyncset.done $0x0  }
0x92: {  	[sflag:s23] =	ssyncadd.s32 $0xFFFFF000  }
0x93: {  	_ =	swait.ge [sflag:s23], $0x1000  }
0x94: {  	[sflag:s23] =	ssyncset.done $0x0  }
0x95: {  	[sflag:s23] =	ssyncadd.s32 $0xFFFFF000  }
0x96: {  	_ =	swait.ge [sflag:s23], $0x1000  }
0x97: {  	[sflag:s23] =	ssyncset.done $0x0  }
0x98: {  	[sflag:s23] =	ssyncadd.s32 $0xFFFFF000  }
0x99: {  	[spmem:s3] =	stream.indirect.scatter.add.f32 [tilespmem:s16], [sflag:$0x2], $0x20, s14, s15, $0xb8;
	[tilespmem:$0x1DC00] =	vst v63  }
0x9a: {  	_ = 	snop  }
0x9b: {  	[spmem:s3] =	stream.indirect.scatter.add.f32 [tilespmem:s18], [sflag:$0x2], $0x20, s24, s15, $0xb8;
	[tilespmem:$0x1DC00] =	vst v63  }
0x9c: {  	_ = 	snop  }
0x9d: {  	[spmem:s3] =	stream.indirect.scatter.add.f32 [tilespmem:s20], [sflag:$0x2], $0x20, s25, s15, $0xb8;
	[tilespmem:$0x1DC00] =	vst v63  }
0x9e: {  	_ = 	snop  }
0x9f: {  	[spmem:s3] =	stream.indirect.scatter.add.f32 [tilespmem:s22], [sflag:$0x2], $0x20, s26, s15, $0xb8;
	[tilespmem:$0x1DC00] =	vst v63  }
0xa0: {  	_ =	swait.ge [sflag:s28], $0x1000  }
0xa1: {  	[sflag:s28] =	ssyncset.done $0x0  }
0xa2: {  	[sflag:s28] =	ssyncadd.s32 $0xFFFFF000  }
0xa3: {  	_ =	swait.ge [sflag:s28], $0x1000  }
0xa4: {  	[sflag:s28] =	ssyncset.done $0x0  }
0xa5: {  	[sflag:s28] =	ssyncadd.s32 $0xFFFFF000  }
0xa6: {  	_ =	swait.ge [sflag:s28], $0x1000  }
0xa7: {  	[sflag:s28] =	ssyncset.done $0x0  }
0xa8: {  	[sflag:s28] =	ssyncadd.s32 $0xFFFFF000  }
0xa9: {  	_ =	swait.ge [sflag:s28], $0x1000  }
0xaa: {  	[sflag:s28] =	ssyncset.done $0x0  }
0xab: {  	[sflag:s28] =	ssyncadd.s32 $0xFFFFF000  }
0xac: {  	[bflag:$0x0] =	sbarrier.arrive $0xFFFF  }
0xad: {  	[tilespmem:s11], [sflag:$0x3] =	stream.linear.gather [spmem:s7], $0x1100, $0x38;
	[tilespmem:$0x1DC00] =	vst v63  }
0xae: {  	_ =	swait.ge [sflag:s12], $0x1100  }
0xaf: {  	[sflag:s12] =	ssyncset.done $0x0  }
0xb0: {  	s5 =	sadd.s32 $0x0, s10;
	[sflag:s12] =	ssyncadd.s32 $0xFFFFEF00  }
0xb1: {  	[hbm4b:s5+s4] =	stream.linear.scatter [tilespmem:s11], [sflag:$0x3], $0x1100, $0x38;
	[tilespmem:$0x1DC00] =	vst v63  }
0xb2: {  	_ =	swait.ge [sflag:s12], $0x1100  }
0xb3: {  	s30 =	simm.s32 $0x220;
	s31 =	smov.u32 s7;
	[sflag:s12] =	ssyncset.done $0x0  }
.LBB2_6:
0xb4: {  	p0 =	sne.s32 s30, $0x2EC0;
	[sflag:s12] =	ssyncadd.s32 $0xFFFFEF00;
	s31 =	sadd.s32 $0x1100, s31  }
0xb5: {  	[tilespmem:s11], [sflag:$0x3] =	stream.linear.gather [spmem:s31], $0x1100, $0x38;
	[tilespmem:$0x1DC00] =	vst v63  }
0xb6: {  	s0 =	smov.u32 s30;
	s30 =	sadd.s32 $0x220, s30;
	_ =	swait.ge [sflag:s12], $0x1100  }
.Ltmp2:
0xb7: {  	[sflag:s12] =	ssyncset.done $0x0;
	(pc) =	sbr.rel @p0 .LBB2_6-.Ltmp2, $4  }
0xb8: {  	s0 =	sadd.s32 s0, s10;
	[sflag:s12] =	ssyncadd.s32 $0xFFFFEF00  }
0xb9: {  	[hbm4b:s0+s4] =	stream.linear.scatter [tilespmem:s11], [sflag:$0x3], $0x1100, $0x38;
	[tilespmem:$0x1DC00] =	vst v63  }
0xba: {  	_ =	swait.ge [sflag:s12], $0x1100  }
0xbb: {  	[sflag:s12] =	ssyncset.done $0x0  }
0xbc: {  	s29 =	sadd.s32 $0x1, s29  }
0xbd: {  	p0 =	sne.s32 s29, s6  }
.Ltmp3:
0xbe: {  	_ = 	snop;
	(pc) =	sbr.rel @p0 .LBB2_1-.Ltmp3, $2  }
0xbf: {  	_ =	sdelay $0x2  }
0xc0: {  	[sflag:s12] =	ssyncadd.s32 $0xFFFFEF00  }
0xc1: {  	_ =	sfence.sel $0x180000  }
0xc2: {  	[bflag:$0x0] =	sbarrier.arrive $0xFFFF  }
0xc3: {  	_ =	strace $0x9000004D  }
0xc4: {  	s0 =	stileid.u32;
	[bflag:$0x2] =	sbarrier.arrive $0xFFFF  }
0xc5: {  	p0 =	sne.s32 s0, $0x0;
	s0 =	rddreg [dreg:$0x3]  }
0xc6: {  	s0 =	sadd.s32 @!p0 $0x100000, s0  }
0xc7: {  	[sflag:s0] =	ssyncadd.tile.s32 @!p0 $0x1;
	_ =	shalt  }
.Lfunc_end2:
_tile_overlayer_lowered:
.L_overlay_start_2:
0xc8: {  	(tag) =	ssettag $0x2  }
0xc9: {  	s0 =	rddreg [dreg:$0x0];
	s2 =	stileid.u32  }
0xca: {  	s1 =	rddreg [dreg:$0x1];
	p0 =	sne.s32 s2, $0x0  }
0xcb: {  	s3 =	rddreg [dreg:$0x2];
	[bflag:$0x3] =	sbarrier.arrive $0xFFFF;
	s2 =	simm.s32 @!p0 $0x1C03  }
0xcc: {  	[timem:s3], [sflag:s2] =	dma.local @!p0 [hbm:s0], s1  }
0xcd: {  	s0 =	simm.s32 @!p0 $0x3  }
0xce: {  	_ =	swait.ge @!p0 [sflag:s0], s1  }
0xcf: {  	s1 =	ssub.s32 @!p0 $0x0, s1;
	[sflag:s0] =	ssyncset.done @!p0 $0x0  }
0xd0: {  	[sflag:s0] =	ssyncadd.s32 @!p0 s1  }
0xd1: {  	[bflag:$0x3] =	sbarrier.arrive $0xFFFF  }
0xd2: {  	_ =	shalt  }

// kernel: kernel.7.cloned.1.call-start
scs
__scs_entry_jumppad:
0x0: {  	(pc) =	sbr.rel $0x88, $3  }
0x1: {  	(tag) =	ssettag $0x0;
	lr =	simm.s32 $0x1  }
0x2: {  	[smem:$0x3F9B] =	sst lr;
	_ =	strace $0xD0000000  }
0x3: {  	_ = 	snop  }
0x4: {  	_ = 	snop  }
0x5: {  	_ = 	snop  }
0x6: {  	_ = 	snop  }
0x7: {  	_ = 	snop  }
__scs_overlays_trampoline_lowered:
0x8: {  	[smem:$0x3FAA] =	sst s0  }
0x9: {  	[smem:$0x3FAB] =	sst s1  }
0xa: {  	[smem:$0x3FAC] =	sst s2  }
0xb: {  	[smem:$0x3FAD] =	sst s3  }
0xc: {  	[smem:$0x3FAE] =	sst s4  }
0xd: {  	[smem:$0x3FAF] =	sst s5  }
0xe: {  	[smem:$0x3FB0] =	sst s6  }
0xf: {  	[smem:$0x3FB1] =	sst s7  }
0x10: {  	[smem:$0x3FB2] =	sst s8  }
0x11: {  	[smem:$0x3FB3] =	sst s9;
	s0 =	simm.s32 @!p0 $0x0  }
0x12: {  	s1 =	sld [smem:$0x3F99];
	s0 =	simm.s32 @p0 $0x1  }
0x13: {  	[smem:$0x3FB4] =	sst s0;
	s0 =	simm.s32 @!p1 $0x0  }
0x14: {  	s2 =	sld [smem:$0x3F98];
	s0 =	simm.s32 @p1 $0x1  }
0x15: {  	[smem:$0x3FB5] =	sst s0;
	s0 =	simm.s32 @!p2 $0x0  }
0x16: {  	s3 =	sld [smem:$0x3FDB];
	s0 =	simm.s32 @p2 $0x1  }
0x17: {  	s4 =	simm.s32 $0x1BF5;
	[smem:$0x3FB7] =	sst s0  }
0x18: {  	s0 =	sld [smem:$0x3F9A];
	_ =	swait.ge [sflag:s4], $0x0  }
0x19: {  	s7 =	sld [smem:$0x3F9B]  }
0x1a: {  	s8 =	sadd.s32 $0xFFFFE003, lr  }
0x1b: {  	s9 =	sadd.s32 $0xFFFFFEF7, lr;
	s5 =	simm.s32 $0xFFFFFFFF;
	p2 =	slt.u32 s8, $0xFFFFF086  }
0x1c: {  	p1 =	slt.u32 s9, $0xF7A;
	s5 =	simm.s32 @!p2 $0x0  }
0x1d: {  	s5 =	simm.s32 @p1 $0x1;
	p0 =	seq.s32 s7, s2  }
0x1e: {  	s7 =	smul.u32 @!p0 $0xF7A, s2;
	p2 =	seq.s32 @!p0 s5, $0x0  }
0x1f: {  	s9 =	smul.u32 $0xF7A, s1;
	s8 =	simm.s32 @!p0 $0x1BF5;
	p2 =	por !p2, p0  }
0x20: {  	[sflag:s8] =	ssyncset.s32 @!p0 $0xFFFFF086;
	s6 =	sadd.s32 @!p0 s3, s7;
	s7 =	simm.s32 @!p0 $0x108  }
0x21: {  	s3 =	sadd.s32 s3, s9;
	s6 =	sadd.s32 @!p0 $0x88, s6;
	s7 =	simm.s32 @p2 $0x1082  }
0x22: {  	[simem:s7], [sflag:s8] =	dma.local @!p0 [hbm:s6], $0xF7A  }
0x23: {  	s9 =	sor.u32 $0xD0000000, s2;
	s6 =	simm.s32 $0x108;
	_ =	swait.ge @!p0 [sflag:s8], $0x0  }
0x24: {  	s3 =	sadd.s32 $0x88, s3;
	s6 =	simm.s32 @!p1 $0x1082;
	[sflag:s4] =	ssyncset.s32 $0xFFFFF086  }
0x25: {  	[simem:s6], [sflag:s4] =	dma.local [hbm:s3], $0xF7A  }
0x26: {  	[smem:$0x3F9B] =	sst s1;
	(tag) =	ssettag s2;
	_ =	strace s9  }
0x27: {  	s1 =	sld [smem:$0x3FAB]  }
0x28: {  	s2 =	sld [smem:$0x3FAC]  }
0x29: {  	s4 =	sld [smem:$0x3FAE]  }
0x2a: {  	p0 =	seq.s32 s5, $0x0;
	s5 =	sld [smem:$0x3FAF]  }
0x2b: {  	s6 =	sld [smem:$0x3FB0]  }
0x2c: {  	s7 =	sld [smem:$0x3FB1]  }
0x2d: {  	s3 =	simm.s32 $0x108;
	s8 =	sld [smem:$0x3FB2]  }
0x2e: {  	s3 =	simm.s32 @!p0 $0x1082;
	s9 =	sld [smem:$0x3FB3]  }
0x2f: {  	lr =	sadd.s32 s0, s3;
	s0 =	sld [smem:$0x3FAA]  }
0x30: {  	s3 =	sld [smem:$0x3FAD]  }
0x31: {  	[smem:$0x3FB6] =	sst s10  }
0x32: {  	s10 =	sld [smem:$0x3FB4];
	_ =	sdelay $0x3  }
0x33: {  	p0 =	seq.s32 s10, $0x1;
	s10 =	sld [smem:$0x3FB6];
	_ =	sdelay $0x3  }
0x34: {  	[smem:$0x3FB6] =	sst s10  }
0x35: {  	s10 =	sld [smem:$0x3FB5];
	_ =	sdelay $0x3  }
0x36: {  	p1 =	seq.s32 s10, $0x1;
	s10 =	sld [smem:$0x3FB6];
	_ =	sdelay $0x3  }
0x37: {  	[smem:$0x3FB6] =	sst s10  }
0x38: {  	s10 =	sld [smem:$0x3FB7]  }
0x39: {  	_ = 	snop;
	(pc) =	sbr.ind lr, $3  }
0x3a: {  	_ = 	snop  }
0x3b: {  	_ = 	snop  }
0x3c: {  	p2 =	seq.s32 s10, $0x1;
	s10 =	sld [smem:$0x3FB6]  }
0x3d: {  	_ =	shalt  }
0x3e: {  	_ =	shalt  }
0x3f: {  	_ =	shalt  }
0x40: {  	_ =	shalt  }
0x41: {  	_ =	shalt  }
0x42: {  	_ =	shalt  }
0x43: {  	_ =	shalt  }
0x44: {  	_ =	shalt  }
0x45: {  	_ =	shalt  }
0x46: {  	_ =	shalt  }
0x47: {  	_ =	shalt  }
0x48: {  	_ =	shalt  }
0x49: {  	_ =	shalt  }
0x4a: {  	_ =	shalt  }
0x4b: {  	_ =	shalt  }
0x4c: {  	_ =	shalt  }
0x4d: {  	_ =	shalt  }
0x4e: {  	_ =	shalt  }
0x4f: {  	_ =	shalt  }
0x50: {  	_ =	shalt  }
0x51: {  	_ =	shalt  }
0x52: {  	_ =	shalt  }
0x53: {  	_ =	shalt  }
0x54: {  	_ =	shalt  }
0x55: {  	_ =	shalt  }
0x56: {  	_ =	shalt  }
0x57: {  	_ =	shalt  }
0x58: {  	_ =	shalt  }
0x59: {  	_ =	shalt  }
0x5a: {  	_ =	shalt  }
0x5b: {  	_ =	shalt  }
0x5c: {  	_ =	shalt  }
0x5d: {  	_ =	shalt  }
0x5e: {  	_ =	shalt  }
0x5f: {  	_ =	shalt  }
0x60: {  	_ =	shalt  }
0x61: {  	_ =	shalt  }
0x62: {  	_ =	shalt  }
0x63: {  	_ =	shalt  }
0x64: {  	_ =	shalt  }
0x65: {  	_ =	shalt  }
0x66: {  	_ =	shalt  }
0x67: {  	_ =	shalt  }
0x68: {  	_ =	shalt  }
0x69: {  	_ =	shalt  }
0x6a: {  	_ =	shalt  }
0x6b: {  	_ =	shalt  }
0x6c: {  	_ =	shalt  }
0x6d: {  	_ =	shalt  }
0x6e: {  	_ =	shalt  }
0x6f: {  	_ =	shalt  }
0x70: {  	_ =	shalt  }
0x71: {  	_ =	shalt  }
0x72: {  	_ =	shalt  }
0x73: {  	_ =	shalt  }
0x74: {  	_ =	shalt  }
0x75: {  	_ =	shalt  }
0x76: {  	_ =	shalt  }
0x77: {  	_ =	shalt  }
0x78: {  	_ =	shalt  }
0x79: {  	_ =	shalt  }
0x7a: {  	_ =	shalt  }
0x7b: {  	_ =	shalt  }
0x7c: {  	_ =	shalt  }
0x7d: {  	_ =	shalt  }
0x7e: {  	_ =	shalt  }
0x7f: {  	_ =	shalt  }
0x80: {  	_ =	shalt  }
0x81: {  	_ =	shalt  }
0x82: {  	_ =	shalt  }
0x83: {  	_ =	shalt  }
0x84: {  	_ =	shalt  }
0x85: {  	_ =	shalt  }
0x86: {  	_ =	shalt  }
0x87: {  	_ =	shalt  }
.Lfunc_end0:
.L_simem_size_0:
called_computation_lowered:
.L_overlay_start_0:
0x88: {  	s2 =	sld [smem:$0x3FD9]  }
0x89: {  	s3 =	sld [smem:$0x3FFE];
	_ =	sdelay $0x1  }
0x8a: {  	s1 =	srdreg.scid  }
0x8b: {  	s0 =	sand.u32 $0x1, s1  }
0x8c: {  	s17 =	sshll.u32 s0, $0xA;
	s2 =	sadd.s32 s3, s2  }
0x8d: {  	s2 =	sadd.s32 s2, s17  }
0x8e: {  	[smem:$0x3FC2] =	sst s2  }
0x8f: {  	_ = 	snop  }
0x90: {  	s18 =	sld [smem:$0x3FD0];
	(tm) =	ssettm $0x1  }
0x91: {  	s19 =	sld [smem:$0x3FFB];
	_ =	sdelay $0x3  }
0x92: {  	_ =	strace s19  }
0x93: {  	s2 =	sld [smem:$0x3FFC];
	_ =	sdelay $0x3  }
0x94: {  	_ =	strace s2  }
0x95: {  	s2 =	sld [smem:$0x3FFD];
	_ =	sdelay $0x3  }
0x96: {  	_ =	strace s2  }
0x97: {  	_ =	strace $0x8FFFFFFF  }
0x98: {  	s20 =	sld [smem:$0x3FDB];
	_ =	sdelay $0x1  }
0x99: {  	s4 =	simm.s32 $_scs_section_size  }
0x9a: {  	s5 =	simm.s32 $_size__tile_overlayer_lowered;
	s6 =	simm.s32 $_tile_overlayer_lowered  }
0x9b: {  	s7 =	simm.s32 $0x1BFF;
	s21 =	sshll.u32 s6, $0x1;
	s4 =	sadd.s32 s4, s20  }
0x9c: {  	s22 =	simm.s32 $0x0;
	s5 =	sshll.u32 s5, $0x1;
	s6 =	sadd.s32 s21, s4  }
0x9d: {  	[timem:s22], [sflag:s7] =	dma.local [hbm:s6], s5  }
0x9e: {  	_ =	swait.ge [sflag:s7], s5  }
0x9f: {  	s5 =	ssub.s32 $0x0, s5;
	[sflag:s7] =	ssyncset.done $0x0  }
0xa0: {  	[sflag:s7] =	ssyncadd.s32 s5;
	_ =	sdelay $0x1  }
0xa1: {  	s23 =	simm.s32 $0x1B8B  }
0xa2: {  	_ =	swait.ge [sflag:s23], $0x1  }
0xa3: {  	[sflag:s23] =	ssyncset.done $0x0  }
0xa4: {  	[sflag:s23] =	ssyncadd.s32 $0xFFFFFFFF  }
0xa5: {  	s5 =	sld [smem:$0x0]  }
0xa6: {  	s6 =	sand.u32 $0xFFFFFFFE, s1  }
0xa7: {  	p0 =	sne.s32 s1, s6  }
0xa8: {  	s6 =	sshll.u32 @p0 s6, $0xE  }
0xa9: {  	s6 =	sadd.s32 @p0 $0x11B8D, s6;
	s7 =	sshll.u32 @p0 s5, $0x11  }
0xaa: {  	s6 =	sor.u32 @p0 s7, s6  }
0xab: {  	[sflag:s6] =	ssyncadd.remote.s32 @p0 $0x1;
	_ =	sdelay $0x1  }
0xac: {  	s6 =	simm.s32 @p0 $0x1B8D  }
0xad: {  	_ =	swait.eq @p0 [sflag:s6], $0x1  }
0xae: {  	[sflag:s6] =	ssyncadd.s32 @p0 $0xFFFFFFFF  }
0xaf: {  	s7 =	sshll.u32 @!p0 s1, $0xE  }
0xb0: {  	s7 =	sor.u32 @!p0 $0x4000, s7;
	s6 =	simm.s32 @!p0 $0x1B8D  }
0xb1: {  	s5 =	sshll.u32 @!p0 s5, $0x11;
	s7 =	sadd.s32 @!p0 $0x11B8D, s7;
	_ =	swait.eq @!p0 [sflag:s6], $0x1  }
0xb2: {  	s5 =	sor.u32 @!p0 s5, s7;
	[sflag:s6] =	ssyncadd.s32 @!p0 $0xFFFFFFFF  }
0xb3: {  	s25 =	simm.s32 $0x1B8E;
	s24 =	sld [smem:$0x3FFE];
	[sflag:s5] =	ssyncadd.remote.s32 @!p0 $0x1  }
0xb4: {  	s26 =	simm.s32 $execute0_lowered;
	[smem:$0x3FD2] =	sst s25  }
0xb5: {  	s6 =	sshll.u32 s26, $0x1;
	_ =	strace $0x80000049;
	[dreg:$0x1] =	wrdreg $0xFFFFFFFF  }
0xb6: {  	s28 =	simm.s32 $_size_execute0_lowered;
	s4 =	sadd.s32 s4, s6;
	[dreg:$0x0] =	wrdreg $0x0  }
0xb7: {  	s6 =	sshll.u32 s28, $0x1;
	[dreg:$0x2] =	wrdreg s4  }
0xb8: {  	[dreg:$0x3] =	wrdreg s6  }
0xb9: {  	[dreg:$0x4] =	wrdreg $0xC0  }
0xba: {  	_ =	task [dreg:s22], $0x5FFFF  }
0xbb: {  	[dreg:$0x1] =	wrdreg $0xFFFFFFFF  }
0xbc: {  	[dreg:$0x0] =	wrdreg $0x60  }
0xbd: {  	[dreg:$0x2] =	wrdreg s24  }
0xbe: {  	[dreg:$0x3] =	wrdreg s18  }
0xbf: {  	[dreg:$0x4] =	wrdreg $0x0  }
0xc0: {  	[dreg:$0x5] =	wrdreg $0x9  }
0xc1: {  	_ =	task.clear_ibuf [dreg:s22], $0x6FFFF;
	_ =	strace $0x90000049  }
0xc2: {  	s29 =	simm.s32 $0x9;
	_ =	strace $0x8000004B  }
0xc3: {  	_ =	swait.ge [sflag:s29], $0x1  }
0xc4: {  	[sflag:s29] =	ssyncadd.s32 $0xFFFFFFFF  }
0xc5: {  	_ =	strace $0x9000004B  }
0xc6: {  	_ =	sfence  }
0xc7: {  	s30 =	sld [smem:$0x0];
	_ =	sdelay $0x2  }
0xc8: {  	s31 =	sshll.u32 s1, $0xD;
	s1 =	sshrl.u32 s1, $0x2  }
0xc9: {  	s4 =	sand.u32 $0x4000, s31;
	s1 =	sadd.s32 s1, s30  }
0xca: {  	s0 =	sor.u32 s4, s0;
	s1 =	sshll.u32 s1, $0x11  }
0xcb: {  	s0 =	sor.u32 s1, s0  }
0xcc: {  	s0 =	sadd.s32 $0x8F2B, s0  }
0xcd: {  	[sflag:s0] =	ssyncadd.remote.s32 $0x1  }
0xce: {  	_ =	sfence.sel $0xFFFF  }
0xcf: {  	[dreg:$0x0] =	wrdreg $0xFFFFFFFF;
	(pc) =	sbr.abs _section_cstart, $3  }
0xd0: {  	[dreg:$0x1] =	wrdreg $0xFFFFFFFF  }
0xd1: {  	_ =	task.clear_ibuf [dreg:s22], $0x2FFFF;
	_ =	strace $0x9FFFFFFF  }
0xd2: {  	(tm) =	ssettm $0x7FFFFFFF  }
0xd3: {  	_ =	shalt  }
tec
execute0_lowered:
.L_overlay_start_1:
0x0: {  	(tag) =	ssettag $0x1  }
0x1: {  	s5 =	rddreg [dreg:$0x0]  }
0x2: {  	s9 =	rddreg [dreg:$0x1]  }
0x3: {  	s0 =	srdreg.scid;
	s2 =	rddreg [dreg:$0x2]  }
0x4: {  	s1 =	rddreg [dreg:$0x3];
	s3 =	simm.s32 $0x0;
	s4 =	sand.u32 $0x1, s0  }
0x5: {  	s13 =	simm.s32 $0xC380;
	s0 =	stileid.u32;
	s6 =	smul.u32 $0xC4000, s4  }
0x6: {  	s14 =	simm.s32 $0x80;
	s15 =	simm.s32 $0xC400;
	s7 =	smul.u32 $0xC400, s0  }
0x7: {  	s16 =	simm.s32 $0xC480;
	s17 =	simm.s32 $0xC500;
	s30 =	smul.u32 $0xC3800, s4  }
0x8: {  	s18 =	simm.s32 $0x1;
	s19 =	simm.s32 $0x0;
	s8 =	smul.u32 $0x30E00, s0  }
0x9: {  	[smem:$0x7FF] =	sst s3;
	s31 =	ssub.s32 $0x2, s4;
	s11 =	smul.u32 $0xC380, s0  }
0xa: {  	_ =	strace $0x8000004A;
	s4 =	sadd.s32 $0x1400, s5;
	s12 =	sshrl.u32 s31, $0x1  }
0xb: {  	s6 =	sadd.s32 s7, s6;
	s8 =	sshrl.u32 s8, $0x2;
	s11 =	sadd.s32 s11, s30  }
0xc: {  	s6 =	sshrl.u32 s6, $0x3;
	s7 =	sadd.s32 s8, s2;
	s11 =	sshrl.u32 s11, $0x3  }
0xd: {  	s10 =	sadd.s32 s6, s5;
	s5 =	sadd.s32 $0x1600, s5;
	s6 =	ssub.s32 s31, s12  }
0xe: {  	s9 =	sadd.s32 s11, s9;
	s11 =	simm.s32 $0x2;
	s12 =	simm.s32 $0xC580  }
0xf: {  	s6 =	smax.u32 s6, $0x1;
	s8 =	sadd.s32 $0x4A600, s10;
	s10 =	simm.s32 $0xCD80  }
.LBB2_1:
0x10: {  	[tilespmem:s10], [sflag:$0x2] =	stream.linear.gather [hbm4b:s5+s3], $0x880, $0x38;
	[tilespmem:$0xD600] =	vst v63  }
0x11: {  	_ =	swait.ge [sflag:s11], $0x880  }
0x12: {  	[sflag:s11] =	ssyncset.done $0x0  }
0x13: {  	[sflag:s11] =	ssyncadd.s32 $0xFFFFF780  }
0x14: {  	[tilespmem:s12], [sflag:$0x2] =	stream.linear.gather [hbm4b:s4+s3], $0x800, $0x38;
	[tilespmem:$0xD600] =	vst v63  }
0x15: {  	_ =	swait.ge [sflag:s11], $0x800  }
0x16: {  	[sflag:s11] =	ssyncset.done $0x0  }
0x17: {  	s20 =	sadd.s32 $0x0, s7;
	[sflag:s11] =	ssyncadd.s32 $0xFFFFF800  }
0x18: {  	[spmem:s20] =	stream.linear.scatter [tilespmem:s10], [sflag:$0x2], $0x880, $0x38;
	[tilespmem:$0xD600] =	vst v63  }
0x19: {  	s20 =	simm.s32 $0x2200;
	_ =	swait.ge [sflag:s11], $0x880  }
.LBB2_2:
0x1a: {  	s21 =	sshra.s32 s20, $0x2;
	[sflag:s11] =	ssyncset.done $0x0;
	p0 =	sne.s32 s20, $0x2EC00  }
.Ltmp0:
0x1b: {  	s21 =	sadd.s32 s21, s7;
	[sflag:s11] =	ssyncadd.s32 $0xFFFFF780;
	(pc) =	sbr.rel @p0 .LBB2_2-.Ltmp0, $3  }
0x1c: {  	[spmem:s21] =	stream.linear.scatter [tilespmem:s10], [sflag:$0x2], $0x880, $0x38;
	[tilespmem:$0xD600] =	vst v63  }
0x1d: {  	s20 =	sadd.s32 $0x2200, s20;
	_ =	sdelay $0x1  }
0x1e: {  	_ =	swait.ge [sflag:s11], $0x880  }
0x1f: {  	[sflag:s11] =	ssyncset.done $0x0  }
0x20: {  	[sflag:s11] =	ssyncadd.s32 $0xFFFFF780  }
0x21: {  	s20 =	sadd.s32 $0x0, s8;
	[bflag:$0x0] =	sbarrier.arrive $0xFFFF  }
0x22: {  	[tilespmem:s13], [sflag:$0x2] =	stream.linear.gather [hbm4b:s20+s3], $0x200, $0x38;
	[tilespmem:$0xD600] =	vst v63  }
0x23: {  	_ =	swait.ge [sflag:s11], $0x200  }
0x24: {  	[sflag:s11] =	ssyncset.done $0x0  }
0x25: {  	[sflag:s11] =	ssyncadd.s32 $0xFFFFFE00  }
0x26: {  	[spmem:s2] =	stream.indirect.scatter.add.f32 [tilespmem:s12], [sflag:$0x1], $0x10, s13, s14, $0xb8;
	[tilespmem:$0xD600] =	vst v63  }
0x27: {  	_ = 	snop  }
0x28: {  	[spmem:s2] =	stream.indirect.scatter.add.f32 [tilespmem:s12], [sflag:$0x1], $0x10, s15, s14, $0xb8;
	[tilespmem:$0xD600] =	vst v63  }
0x29: {  	_ = 	snop  }
0x2a: {  	[spmem:s2] =	stream.indirect.scatter.add.f32 [tilespmem:s12], [sflag:$0x1], $0x10, s16, s14, $0xb8;
	[tilespmem:$0xD600] =	vst v63  }
0x2b: {  	_ = 	snop  }
0x2c: {  	[spmem:s2] =	stream.indirect.scatter.add.f32 [tilespmem:s12], [sflag:$0x1], $0x10, s17, s14, $0xb8;
	[tilespmem:$0xD600] =	vst v63  }
0x2d: {  	_ =	swait.ge [sflag:s18], $0x800  }
0x2e: {  	[sflag:s18] =	ssyncset.done $0x0  }
0x2f: {  	[sflag:s18] =	ssyncadd.s32 $0xFFFFF800  }
0x30: {  	_ =	swait.ge [sflag:s18], $0x800  }
0x31: {  	[sflag:s18] =	ssyncset.done $0x0  }
0x32: {  	[sflag:s18] =	ssyncadd.s32 $0xFFFFF800  }
0x33: {  	_ =	swait.ge [sflag:s18], $0x800  }
0x34: {  	[sflag:s18] =	ssyncset.done $0x0  }
0x35: {  	[sflag:s18] =	ssyncadd.s32 $0xFFFFF800  }
0x36: {  	_ =	swait.ge [sflag:s18], $0x800  }
0x37: {  	s21 =	simm.s32 $0x80;
	s20 =	simm.s32 $0x40;
	[sflag:s18] =	ssyncset.done $0x0  }
.LBB2_4:
0x38: {  	s22 =	sadd.s32 s20, s8  }
0x39: {  	[sflag:s18] =	ssyncadd.s32 $0xFFFFF800;
	s20 =	smov.u32 s21;
	s23 =	sadd.s32 $0x40, s21  }
0x3a: {  	[tilespmem:s13], [sflag:$0x2] =	stream.linear.gather [hbm4b:s22+s3], $0x200, $0x38;
	[tilespmem:$0xD600] =	vst v63  }
0x3b: {  	p0 =	sne.s32 s21, $0x1840;
	_ =	swait.ge [sflag:s11], $0x200  }
0x3c: {  	[sflag:s11] =	ssyncset.done $0x0  }
0x3d: {  	[sflag:s11] =	ssyncadd.s32 $0xFFFFFE00  }
0x3e: {  	[spmem:s2] =	stream.indirect.scatter.add.f32 [tilespmem:s12], [sflag:$0x1], $0x10, s13, s14, $0xb8;
	[tilespmem:$0xD600] =	vst v63  }
0x3f: {  	_ = 	snop  }
0x40: {  	[spmem:s2] =	stream.indirect.scatter.add.f32 [tilespmem:s12], [sflag:$0x1], $0x10, s15, s14, $0xb8;
	[tilespmem:$0xD600] =	vst v63  }
0x41: {  	_ = 	snop  }
0x42: {  	[spmem:s2] =	stream.indirect.scatter.add.f32 [tilespmem:s12], [sflag:$0x1], $0x10, s16, s14, $0xb8;
	[tilespmem:$0xD600] =	vst v63  }
0x43: {  	_ = 	snop  }
0x44: {  	[spmem:s2] =	stream.indirect.scatter.add.f32 [tilespmem:s12], [sflag:$0x1], $0x10, s17, s14, $0xb8;
	[tilespmem:$0xD600] =	vst v63  }
0x45: {  	_ =	swait.ge [sflag:s18], $0x800  }
0x46: {  	[sflag:s18] =	ssyncset.done $0x0  }
0x47: {  	[sflag:s18] =	ssyncadd.s32 $0xFFFFF800  }
0x48: {  	_ =	swait.ge [sflag:s18], $0x800  }
0x49: {  	[sflag:s18] =	ssyncset.done $0x0  }
0x4a: {  	[sflag:s18] =	ssyncadd.s32 $0xFFFFF800  }
.Ltmp1:
0x4b: {  	_ =	swait.ge [sflag:s18], $0x800;
	(pc) =	sbr.rel @p0 .LBB2_4-.Ltmp1, $4  }
0x4c: {  	[sflag:s18] =	ssyncset.done $0x0  }
0x4d: {  	[sflag:s18] =	ssyncadd.s32 $0xFFFFF800  }
0x4e: {  	_ =	swait.ge [sflag:s18], $0x800  }
0x4f: {  	s21 =	smov.u32 s23;
	[sflag:s18] =	ssyncset.done $0x0  }
0x50: {  	s20 =	sadd.s32 s20, s8;
	[sflag:s18] =	ssyncadd.s32 $0xFFFFF800  }
0x51: {  	[tilespmem:s13], [sflag:$0x2] =	stream.linear.gather [hbm4b:s20+s3], $0x200, $0x38;
	[tilespmem:$0xD600] =	vst v63  }
0x52: {  	_ =	swait.ge [sflag:s11], $0x200  }
0x53: {  	[sflag:s11] =	ssyncset.done $0x0  }
0x54: {  	[sflag:s11] =	ssyncadd.s32 $0xFFFFFE00  }
0x55: {  	[spmem:s2] =	stream.indirect.scatter.add.f32 [tilespmem:s12], [sflag:$0x1], $0x10, s13, s14, $0xb8;
	[tilespmem:$0xD600] =	vst v63  }
0x56: {  	_ = 	snop  }
0x57: {  	[spmem:s2] =	stream.indirect.scatter.add.f32 [tilespmem:s12], [sflag:$0x1], $0x10, s15, s14, $0xb8;
	[tilespmem:$0xD600] =	vst v63  }
0x58: {  	_ = 	snop  }
0x59: {  	[spmem:s2] =	stream.indirect.scatter.add.f32 [tilespmem:s12], [sflag:$0x1], $0x10, s16, s14, $0xb8;
	[tilespmem:$0xD600] =	vst v63  }
0x5a: {  	_ = 	snop  }
0x5b: {  	[spmem:s2] =	stream.indirect.scatter.add.f32 [tilespmem:s12], [sflag:$0x1], $0x10, s17, s14, $0xb8;
	[tilespmem:$0xD600] =	vst v63  }
0x5c: {  	_ =	swait.ge [sflag:s18], $0x800  }
0x5d: {  	[sflag:s18] =	ssyncset.done $0x0  }
0x5e: {  	[sflag:s18] =	ssyncadd.s32 $0xFFFFF800  }
0x5f: {  	_ =	swait.ge [sflag:s18], $0x800  }
0x60: {  	[sflag:s18] =	ssyncset.done $0x0  }
0x61: {  	[sflag:s18] =	ssyncadd.s32 $0xFFFFF800  }
0x62: {  	_ =	swait.ge [sflag:s18], $0x800  }
0x63: {  	[sflag:s18] =	ssyncset.done $0x0  }
0x64: {  	[sflag:s18] =	ssyncadd.s32 $0xFFFFF800  }
0x65: {  	_ =	swait.ge [sflag:s18], $0x800  }
0x66: {  	[sflag:s18] =	ssyncset.done $0x0  }
0x67: {  	[sflag:s18] =	ssyncadd.s32 $0xFFFFF800  }
0x68: {  	[bflag:$0x0] =	sbarrier.arrive $0xFFFF  }
0x69: {  	[tilespmem:s10], [sflag:$0x2] =	stream.linear.gather [spmem:s7], $0x880, $0x38;
	[tilespmem:$0xD600] =	vst v63  }
0x6a: {  	_ =	swait.ge [sflag:s11], $0x880  }
0x6b: {  	[sflag:s11] =	ssyncset.done $0x0  }
0x6c: {  	s31 =	sadd.s32 $0x0, s9;
	[sflag:s11] =	ssyncadd.s32 $0xFFFFF780  }
0x6d: {  	[hbm4b:s31+s3] =	stream.linear.scatter [tilespmem:s10], [sflag:$0x2], $0x880, $0x38;
	[tilespmem:$0xD600] =	vst v63  }
0x6e: {  	_ =	swait.ge [sflag:s11], $0x880  }
0x6f: {  	s21 =	smov.u32 s7;
	s20 =	simm.s32 $0x110;
	[sflag:s11] =	ssyncset.done $0x0  }
.LBB2_6:
0x70: {  	p0 =	sne.s32 s20, $0x1760;
	[sflag:s11] =	ssyncadd.s32 $0xFFFFF780;
	s21 =	sadd.s32 $0x880, s21  }
0x71: {  	[tilespmem:s10], [sflag:$0x2] =	stream.linear.gather [spmem:s21], $0x880, $0x38;
	[tilespmem:$0xD600] =	vst v63  }
0x72: {  	s22 =	smov.u32 s20;
	s20 =	sadd.s32 $0x110, s20;
	_ =	swait.ge [sflag:s11], $0x880  }
.Ltmp2:
0x73: {  	[sflag:s11] =	ssyncset.done $0x0;
	(pc) =	sbr.rel @p0 .LBB2_6-.Ltmp2, $4  }
0x74: {  	s22 =	sadd.s32 s22, s9;
	[sflag:s11] =	ssyncadd.s32 $0xFFFFF780  }
0x75: {  	[hbm4b:s22+s3] =	stream.linear.scatter [tilespmem:s10], [sflag:$0x2], $0x880, $0x38;
	[tilespmem:$0xD600] =	vst v63  }
0x76: {  	_ =	swait.ge [sflag:s11], $0x880  }
0x77: {  	[sflag:s11] =	ssyncset.done $0x0  }
0x78: {  	s19 =	sadd.s32 $0x1, s19  }
0x79: {  	p0 =	sne.s32 s19, s6  }
.Ltmp3:
0x7a: {  	_ = 	snop;
	(pc) =	sbr.rel @p0 .LBB2_1-.Ltmp3, $2  }
0x7b: {  	_ =	sdelay $0x2  }
0x7c: {  	[sflag:s11] =	ssyncadd.s32 $0xFFFFF780  }
0x7d: {  	_ =	sfence.sel $0x180000  }
0x7e: {  	[bflag:$0x0] =	sbarrier.arrive $0xFFFF  }
0x7f: {  	p0 =	sne.s32 s0, $0x0;
	_ =	strace $0x9000004A  }
0x80: {  	s0 =	sadd.s32 @!p0 $0x100000, s1;
	[bflag:$0x2] =	sbarrier.arrive $0xFFFF  }
0x81: {  	[sflag:s0] =	ssyncadd.tile.s32 @!p0 $0x1;
	_ =	shalt  }
.Lfunc_end2:
_tile_overlayer_lowered:
.L_overlay_start_2:
0x82: {  	(tag) =	ssettag $0x2  }
0x83: {  	s0 =	rddreg [dreg:$0x0];
	s2 =	stileid.u32  }
0x84: {  	s1 =	rddreg [dreg:$0x1];
	p0 =	sne.s32 s2, $0x0  }
0x85: {  	s3 =	rddreg [dreg:$0x2];
	[bflag:$0x3] =	sbarrier.arrive $0xFFFF;
	s2 =	simm.s32 @!p0 $0x1C02  }
0x86: {  	[timem:s3], [sflag:s2] =	dma.local @!p0 [hbm:s0], s1  }
0x87: {  	s0 =	simm.s32 @!p0 $0x2  }
0x88: {  	_ =	swait.ge @!p0 [sflag:s0], s1  }
0x89: {  	s1 =	ssub.s32 @!p0 $0x0, s1;
	[sflag:s0] =	ssyncset.done @!p0 $0x0  }
0x8a: {  	[sflag:s0] =	ssyncadd.s32 @!p0 s1  }
0x8b: {  	[bflag:$0x3] =	sbarrier.arrive $0xFFFF  }
0x8c: {  	_ =	shalt  }

</sc_bundles>
